<compile_context>
chip_gen: v7x
topology: tpu7x:2x2x1
jax: 0.10.2.dev20260603
libtpu: 0.0.44.dev20260713+nightly
codegen_flags: <defaults>
</compile_context>

<pallas_src>
import jax
import jax.numpy as jnp
from jax import lax
from jax.experimental import pallas as pl
from jax.experimental.pallas import tpu as pltpu
from jax.experimental.pallas import tpu_sc as plsc

NUM_TABLES = 4
NUM_EMB = 1000000
EMB_DIM = 64
BATCH = 4096
L = 20

LANES = 16
NC = 2
NS = 16
NW = NC * NS

WORKERS_PER_TABLE = NW // NUM_TABLES
B_PER_W = BATCH // WORKERS_PER_TABLE
IDX_PER_W = B_PER_W * L
BAGS_PER_CHUNK = 8
ROWS_PER_CHUNK = BAGS_PER_CHUNK * L
NUM_CHUNKS = B_PER_W // BAGS_PER_CHUNK


def _body(idx_hbm, tab_hbm, out_hbm, idx_v, tid_v, buf0, buf1, out_v,
          sem0, sem1):
    cid = lax.axis_index("c")
    sid = lax.axis_index("s")
    wid = cid * NS + sid
    t = wid // WORKERS_PER_TABLE
    bstart = (wid % WORKERS_PER_TABLE) * B_PER_W

    pltpu.sync_copy(idx_hbm.at[pl.ds(wid * IDX_PER_W, IDX_PER_W)], idx_v)

    off = jnp.full((LANES,), t * NUM_EMB, dtype=jnp.int32)

    def mk_tid(i, _):
        sl = pl.ds(i * LANES, LANES)
        tid_v[sl] = lax.shift_right_logical(idx_v[sl] + off, 1)
        return 0

    lax.fori_loop(0, IDX_PER_W // LANES, mk_tid, 0)

    bufs = (buf0, buf1)
    sems = (sem0, sem1)

    def start(g, buf, sem):
        pltpu.make_async_copy(
            tab_hbm.at[tid_v.at[pl.ds(g * ROWS_PER_CHUNK, ROWS_PER_CHUNK)]],
            buf, sem).start()

    def wait(g, buf, sem):
        pltpu.make_async_copy(
            tab_hbm.at[tid_v.at[pl.ds(g * ROWS_PER_CHUNK, ROWS_PER_CHUNK)]],
            buf, sem).wait()

    start(0, buf0, sem0)
    start(1, buf1, sem1)

    def reduce_chunk(g, buf):
        def bag_body(j, _):
            row0 = j * L
            base = g * ROWS_PER_CHUNK + row0
            iv0 = idx_v[pl.ds(base, LANES)]
            iv1 = idx_v[pl.ds(base + (L - LANES), LANES)]

            def half_off(l):
                r = iv0[l] if l < LANES else iv1[l - (L - LANES)]
                return lax.mul(lax.rem(r, 2), EMB_DIM)

            offs = [half_off(l) for l in range(L)]
            for c in range(EMB_DIM // LANES):
                acc = buf[row0, pl.ds(offs[0] + c * LANES, LANES)]
                for l in range(1, L):
                    acc = acc + buf[row0 + l,
                                    pl.ds(offs[l] + c * LANES, LANES)]
                out_v[g * BAGS_PER_CHUNK + j, pl.ds(c * LANES, LANES)] = acc
            return 0

        lax.fori_loop(0, BAGS_PER_CHUNK, bag_body, 0)

    def loop_body(i, _):
        for b in range(2):
            g = i * 2 + b
            wait(g, bufs[b], sems[b])
            reduce_chunk(g, bufs[b])
            nxt = g + 2

            @pl.when(nxt < NUM_CHUNKS)
            def _():
                start(nxt, bufs[b], sems[b])
        return 0

    lax.fori_loop(0, NUM_CHUNKS // 2, loop_body, 0)

    pltpu.sync_copy(out_v, out_hbm.at[pl.ds(bstart, B_PER_W), t])


@jax.jit
def kernel(indices, tables):
    idx_flat = indices.reshape(-1)
    tab2 = tables.reshape(NUM_TABLES * NUM_EMB // 2, 2 * EMB_DIM)
    mesh = plsc.VectorSubcoreMesh(
        core_axis_name="c", subcore_axis_name="s",
        num_cores=NC, num_subcores=NS)
    out = pl.kernel(
        _body,
        out_type=jax.ShapeDtypeStruct((BATCH, NUM_TABLES, EMB_DIM),
                                      jnp.float32),
        mesh=mesh,
        scratch_types=[
            pltpu.VMEM((IDX_PER_W,), jnp.int32),
            pltpu.VMEM((IDX_PER_W,), jnp.int32),
            pltpu.VMEM((ROWS_PER_CHUNK, 2 * EMB_DIM), jnp.float32),
            pltpu.VMEM((ROWS_PER_CHUNK, 2 * EMB_DIM), jnp.float32),
            pltpu.VMEM((B_PER_W, EMB_DIM), jnp.float32),
            pltpu.SemaphoreType.DMA,
            pltpu.SemaphoreType.DMA,
        ],
        compiler_params=pltpu.CompilerParams(use_tc_tiling_on_sc=True),
    )(idx_flat, tab2)
    return out.reshape(BATCH, NUM_TABLES * EMB_DIM)

# --- scband reference (transcript-rebuilt; emitter-appended) ---
"""Pipeline reference for scband-test-sparse-arch-28243704939153 (READ-ONLY COPY).

The authoritative reference and input builder live on the scoring server;
editing this copy changes nothing except your own understanding.
"""

import jax, jax.numpy as jnp
import numpy as np

NUM_TABLES = 4
NUM_EMB = 1000000
EMB_DIM = 64
BATCH = 4096
L = 20


def setup_inputs(seed: int = 0) -> dict:
    key = jax.random.key(seed)
    kidx, ktab = jax.random.split(key)
    # KeyedJaggedTensor modeled as fixed-bag-size indices per feature: [T, B, L]
    indices = jax.random.randint(kidx, (NUM_TABLES, BATCH, L), 0, NUM_EMB, dtype=jnp.int32)
    # EmbeddingBagCollection parameter tables: [T, V, D]
    tables = jax.random.normal(ktab, (NUM_TABLES, NUM_EMB, EMB_DIM), dtype=jnp.float32) * 0.01
    return {"indices": indices, "tables": tables}


def reference(indices, tables):
    # EmbeddingBagCollection with default SUM pooling per feature bag.
    # gather: tables[t][indices[t]] -> [T, B, L, D]
    gathered = jax.vmap(lambda tab, idx: jnp.take(tab, idx, axis=0))(tables, indices)
    # pool over bag dimension L (sum pooling) -> [T, B, D]
    pooled = gathered.sum(axis=2)
    # KeyedTensor: concat per-feature pooled embeddings along dim 1 -> [B, T*D]
    out = jnp.transpose(pooled, (1, 0, 2)).reshape(BATCH, NUM_TABLES * EMB_DIM)
    return out

if __name__ == "__main__":
    import jax
    _d = setup_inputs()
    print(jax.jit(kernel)(*tuple(_d.values())))

</pallas_src>

<mosaic_0001>
#map = affine_map<(d0, d1) -> (0)>
#map1 = affine_map<(d0, d1) -> (0, 0)>
#map2 = affine_map<(d0, d1) -> (0, 0, 0)>
module attributes {stable_mosaic.version = 14 : i64} {
  func.func @_body(%arg0: i32, %arg1: i32, %arg2: memref<327680xi32, #tpu.memory_space<hbm>>, %arg3: memref<2000000x128xf32, #tpu.memory_space<hbm>>, %arg4: memref<4096x4x64xf32, #tpu.memory_space<hbm>>, %arg5: memref<10240xi32, #tpu.memory_space<vmem>>, %arg6: memref<10240xi32, #tpu.memory_space<vmem>>, %arg7: memref<160x128xf32, #tpu.memory_space<vmem>>, %arg8: memref<160x128xf32, #tpu.memory_space<vmem>>, %arg9: memref<512x64xf32, #tpu.memory_space<vmem>>, %arg10: memref<!tpu.dma_semaphore, #tpu.memory_space<semaphore_mem>>, %arg11: memref<!tpu.dma_semaphore, #tpu.memory_space<semaphore_mem>>) attributes {dimension_semantics = [#tpu.dimension_semantics<core_parallel>, #tpu.dimension_semantics<subcore_parallel>], iteration_bounds = array<i64: 2, 16>, scalar_prefetch = 0 : i64, scratch_operands = 7 : i64, tpu.core_type = #tpu.core_type<sc_vector_subcore>, window_params = [{transform_indices = #map}, {transform_indices = #map1}, {transform_indices = #map2}]} {
    %mul3A = arith.constant 16 : i32
    %mul3A_0 = arith.muli %arg0, %mul3A : i32
    %add3A = arith.addi %mul3A_0, %arg1 : i32
    %jit3A = arith.constant 8 : i32
    %div3A = arith.divsi %add3A, %jit3A : i32
    %sign3A = arith.constant 0 : i32
    %sign3A_1 = arith.cmpi sgt, %add3A, %sign3A : i32
    %sign3A_2 = arith.extui %sign3A_1 : i1 to i32
    %sign3A_3 = arith.constant 0 : i32
    %sign3A_4 = arith.cmpi slt, %add3A, %sign3A_3 : i32
    %sign3A_5 = arith.extui %sign3A_4 : i1 to i32
    %sign3A_6 = arith.subi %sign3A_2, %sign3A_5 : i32
    %sign3A_7 = arith.constant 0 : i32
    %sign3A_8 = arith.cmpi sgt, %jit3A, %sign3A_7 : i32
    %sign3A_9 = arith.extui %sign3A_8 : i1 to i32
    %sign3A_10 = arith.constant 0 : i32
    %sign3A_11 = arith.cmpi slt, %jit3A, %sign3A_10 : i32
    %sign3A_12 = arith.extui %sign3A_11 : i1 to i32
    %sign3A_13 = arith.subi %sign3A_9, %sign3A_12 : i32
    %ne3A = arith.cmpi ne, %sign3A_6, %sign3A_13 : i32
    %rem3A = arith.remsi %add3A, %jit3A : i32
    %ne3A_14 = arith.constant 0 : i32
    %ne3A_15 = arith.cmpi ne, %rem3A, %ne3A_14 : i32
    %and3A = arith.andi %ne3A, %ne3A_15 : i1
    %sub3A = arith.constant 1 : i32
    %sub3A_16 = arith.subi %div3A, %sub3A : i32
    %select_n3A = arith.select %and3A, %sub3A_16, %div3A : i32
    %jit3A_17 = arith.constant 8 : i32
    %eq3A = arith.constant 0 : i32
    %eq3A_18 = arith.cmpi eq, %jit3A_17, %eq3A : i32
    %jit3A_19 = arith.constant 1 : i32
    %select_n3A_20 = arith.select %eq3A_18, %jit3A_19, %jit3A_17 : i32
    %rem3A_21 = arith.remsi %add3A, %select_n3A_20 : i32
    %ne3A_22 = arith.constant 0 : i32
    %ne3A_23 = arith.cmpi ne, %rem3A_21, %ne3A_22 : i32
    %lt3A = arith.constant 0 : i32
    %lt3A_24 = arith.cmpi slt, %rem3A_21, %lt3A : i32
    %lt3A_25 = arith.constant 0 : i32
    %lt3A_26 = arith.cmpi slt, %select_n3A_20, %lt3A_25 : i32
    %ne3A_27 = arith.xori %lt3A_24, %lt3A_26 : i1
    %and3A_28 = arith.andi %ne3A_27, %ne3A_23 : i1
    %add3A_29 = arith.addi %rem3A_21, %select_n3A_20 : i32
    %select_n3A_30 = arith.select %and3A_28, %add3A_29, %rem3A_21 : i32
    %mul3A_31 = arith.constant 512 : i32
    %mul3A_32 = arith.muli %select_n3A_30, %mul3A_31 : i32
    %mul3A_33 = arith.constant 10240 : i32
    %mul3A_34 = arith.muli %add3A, %mul3A_33 : i32
    "tpu.region"() ({
      %run_scoped3A = tpu.sem_alloc : memref<!tpu.dma_semaphore, #tpu.memory_space<semaphore_mem>>
      %dma_start3A_59 = tpu.memref_slice %arg2[%mul3A_34] : memref<327680xi32, #tpu.memory_space<hbm>> -> memref<10240xi32, #tpu.memory_space<hbm>>
      %dma_start3A_60 = tpu.memref_slice %arg2[%mul3A_34] : memref<327680xi32, #tpu.memory_space<hbm>> -> memref<10240xi32, #tpu.memory_space<hbm>>
      tpu.enqueue_dma source(%dma_start3A_60 : memref<10240xi32, #tpu.memory_space<hbm>>) target(%arg5 : memref<10240xi32, #tpu.memory_space<vmem>>) target_semaphore(%run_scoped3A : memref<!tpu.dma_semaphore, #tpu.memory_space<semaphore_mem>>)
      %dma_wait3A = tpu.memref_slice %arg2[%mul3A_34] : memref<327680xi32, #tpu.memory_space<hbm>> -> memref<10240xi32, #tpu.memory_space<hbm>>
      %dma_wait3A_61 = tpu.memref_slice %arg2[%mul3A_34] : memref<327680xi32, #tpu.memory_space<hbm>> -> memref<10240xi32, #tpu.memory_space<hbm>>
      tpu.wait_dma2 semaphore(%run_scoped3A : memref<!tpu.dma_semaphore, #tpu.memory_space<semaphore_mem>>) src(%dma_wait3A_61 : memref<10240xi32, #tpu.memory_space<hbm>>) dst(%arg5 : memref<10240xi32, #tpu.memory_space<vmem>>)
      tpu.yield
    }) : () -> ()
    %mul3A_35 = arith.constant 1000000 : i32
    %mul3A_36 = arith.muli %select_n3A, %mul3A_35 : i32
    %broadcast_in_dim3A = vector.broadcast %mul3A_36 : i32 to vector<16xi32>
    %scan3A = arith.constant 0 : i32
    %scan3A_37 = arith.constant 0 : i32
    %scan3A_38 = arith.constant 640 : i32
    %scan3A_39 = arith.addi %scan3A_37, %scan3A_38 : i32
    %scan3A_40 = arith.constant 1 : i32
    %scan3A_41 = scf.for %scan3A_59 = %scan3A_37 to %scan3A_39 step %scan3A_40 iter_args(%scan3A_60 = %scan3A) -> (i32)  : i32 {
      %mul3A_61 = arith.constant 16 : i32
      %mul3A_62 = arith.muli %scan3A_59, %mul3A_61 : i32
      %get3A = arith.index_cast %mul3A_62 : i32 to index
      %get3A_63 = tpu.vector_load %arg5[%get3A] {strides = array<i32>} : memref<10240xi32, #tpu.memory_space<vmem>>, vector<16xi32>,
      %get3A_64 = vector.shape_cast %get3A_63 : vector<16xi32> to vector<16xi32>
      %add3A_65 = arith.addi %get3A_64, %broadcast_in_dim3A : vector<16xi32>
      %shift_right_logical3A = arith.constant 1 : i32
      %shift_right_logical3A_66 = vector.broadcast %shift_right_logical3A : i32 to vector<16xi32>
      %shift_right_logical3A_67 = arith.shrui %add3A_65, %shift_right_logical3A_66 : vector<16xi32>
      %swap3A = arith.index_cast %mul3A_62 : i32 to index
      %swap3A_68 = tpu.vector_load %arg6[%swap3A] {strides = array<i32>} : memref<10240xi32, #tpu.memory_space<vmem>>, vector<16xi32>,
      %swap3A_69 = vector.shape_cast %swap3A_68 : vector<16xi32> to vector<16xi32>
      %swap3A_70 = vector.shape_cast %shift_right_logical3A_67 : vector<16xi32> to vector<16xi32>
      tpu.vector_store %arg6[%swap3A], %swap3A_70 {strides = array<i32>} : memref<10240xi32, #tpu.memory_space<vmem>>, vector<16xi32>,
      %scan3A_71 = arith.constant 0 : i32
      scf.yield %scan3A_71 : i32
    }
    %scan3A_42 = arith.constant 640 : i32
    %dma_start3A = arith.constant 0 : i32
    %dma_start3A_43 = tpu.memref_slice %arg6[%dma_start3A] : memref<10240xi32, #tpu.memory_space<vmem>> -> memref<160xi32, #tpu.memory_space<vmem>>
    %dma_start3A_44 = arith.constant 0 : i32
    %dma_start3A_45 = arith.constant 0 : i32
    %dma_start3A_46 = tpu.memref_slice %arg3[%dma_start3A_44, %dma_start3A_45] : memref<2000000x128xf32, #tpu.memory_space<hbm>> -> memref<2000000x128xf32, #tpu.memory_space<hbm>>
    tpu.enqueue_indirect_dma source(%dma_start3A_46 : memref<2000000x128xf32, #tpu.memory_space<hbm>>) target(%arg7 : memref<160x128xf32, #tpu.memory_space<vmem>>) offsets(%dma_start3A_43 : memref<160xi32, #tpu.memory_space<vmem>>) semaphore(%arg10 : memref<!tpu.dma_semaphore, #tpu.memory_space<semaphore_mem>>)
    %dma_start3A_47 = arith.constant 160 : i32
    %dma_start3A_48 = tpu.memref_slice %arg6[%dma_start3A_47] : memref<10240xi32, #tpu.memory_space<vmem>> -> memref<160xi32, #tpu.memory_space<vmem>>
    %dma_start3A_49 = arith.constant 0 : i32
    %dma_start3A_50 = arith.constant 0 : i32
    %dma_start3A_51 = tpu.memref_slice %arg3[%dma_start3A_49, %dma_start3A_50] : memref<2000000x128xf32, #tpu.memory_space<hbm>> -> memref<2000000x128xf32, #tpu.memory_space<hbm>>
    tpu.enqueue_indirect_dma source(%dma_start3A_51 : memref<2000000x128xf32, #tpu.memory_space<hbm>>) target(%arg8 : memref<160x128xf32, #tpu.memory_space<vmem>>) offsets(%dma_start3A_48 : memref<160xi32, #tpu.memory_space<vmem>>) semaphore(%arg11 : memref<!tpu.dma_semaphore, #tpu.memory_space<semaphore_mem>>)
    %scan3A_52 = arith.constant 0 : i32
    %scan3A_53 = arith.constant 0 : i32
    %scan3A_54 = arith.constant 32 : i32
    %scan3A_55 = arith.addi %scan3A_53, %scan3A_54 : i32
    %scan3A_56 = arith.constant 1 : i32
    %scan3A_57 = scf.for %scan3A_59 = %scan3A_53 to %scan3A_55 step %scan3A_56 iter_args(%scan3A_60 = %scan3A_52) -> (i32)  : i32 {
      %mul3A_61 = arith.constant 2 : i32
      %mul3A_62 = arith.muli %scan3A_59, %mul3A_61 : i32
      %add3A_63 = arith.constant 0 : i32
      %add3A_64 = arith.addi %mul3A_62, %add3A_63 : i32
      %mul3A_65 = arith.constant 160 : i32
      %mul3A_66 = arith.muli %add3A_64, %mul3A_65 : i32
      %dma_wait3A = tpu.memref_slice %arg6[%mul3A_66] : memref<10240xi32, #tpu.memory_space<vmem>> -> memref<160xi32, #tpu.memory_space<vmem>>
      %dma_wait3A_67 = arith.constant 0 : i32
      %dma_wait3A_68 = arith.constant 0 : i32
      %dma_wait3A_69 = tpu.memref_slice %arg3[%dma_wait3A_67, %dma_wait3A_68] : memref<2000000x128xf32, #tpu.memory_space<hbm>> -> memref<2000000x128xf32, #tpu.memory_space<hbm>>
      tpu.wait_indirect_dma semaphore(%arg10 : memref<!tpu.dma_semaphore, #tpu.memory_space<semaphore_mem>>) src(%dma_wait3A_69 : memref<2000000x128xf32, #tpu.memory_space<hbm>>) dst(%arg7 : memref<160x128xf32, #tpu.memory_space<vmem>>)
      %scan3A_70 = arith.constant 0 : i32
      %scan3A_71 = arith.constant 0 : i32
      %scan3A_72 = arith.constant 8 : i32
      %scan3A_73 = arith.addi %scan3A_71, %scan3A_72 : i32
      %scan3A_74 = arith.constant 1 : i32
      %scan3A_75 = scf.for %scan3A_107 = %scan3A_71 to %scan3A_73 step %scan3A_74 iter_args(%scan3A_108 = %scan3A_70) -> (i32)  : i32 {
        %mul3A_109 = arith.constant 20 : i32
        %mul3A_110 = arith.muli %scan3A_107, %mul3A_109 : i32
        %mul3A_111 = arith.constant 160 : i32
        %mul3A_112 = arith.muli %add3A_64, %mul3A_111 : i32
        %add3A_113 = arith.addi %mul3A_112, %mul3A_110 : i32
        %get3A = arith.index_cast %add3A_113 : i32 to index
        %get3A_114 = tpu.vector_load %arg5[%get3A] {strides = array<i32>} : memref<10240xi32, #tpu.memory_space<vmem>>, vector<16xi32>,
        %get3A_115 = vector.shape_cast %get3A_114 : vector<16xi32> to vector<16xi32>
        %add3A_116 = arith.constant 4 : i32
        %add3A_117 = arith.addi %add3A_113, %add3A_116 : i32
        %get3A_118 = arith.index_cast %add3A_117 : i32 to index
        %get3A_119 = tpu.vector_load %arg5[%get3A_118] {strides = array<i32>} : memref<10240xi32, #tpu.memory_space<vmem>>, vector<16xi32>,
        %get3A_120 = vector.shape_cast %get3A_119 : vector<16xi32> to vector<16xi32>
        %slice3A = vector.extract_strided_slice %get3A_115 {offsets = [0], sizes = [1], strides = [1]} : vector<16xi32> to vector<1xi32>
        %squeeze3A = vector.extract %slice3A[0] : i32 from vector<1xi32>
        %rem3A_121 = arith.constant 2 : i32
        %rem3A_122 = arith.remsi %squeeze3A, %rem3A_121 : i32
        %mul3A_123 = arith.constant 64 : i32
        %mul3A_124 = arith.muli %rem3A_122, %mul3A_123 : i32
        %slice3A_125 = vector.extract_strided_slice %get3A_115 {offsets = [1], sizes = [1], strides = [1]} : vector<16xi32> to vector<1xi32>
        %squeeze3A_126 = vector.extract %slice3A_125[0] : i32 from vector<1xi32>
        %rem3A_127 = arith.constant 2 : i32
        %rem3A_128 = arith.remsi %squeeze3A_126, %rem3A_127 : i32
        %mul3A_129 = arith.constant 64 : i32
        %mul3A_130 = arith.muli %rem3A_128, %mul3A_129 : i32
        %slice3A_131 = vector.extract_strided_slice %get3A_115 {offsets = [2], sizes = [1], strides = [1]} : vector<16xi32> to vector<1xi32>
        %squeeze3A_132 = vector.extract %slice3A_131[0] : i32 from vector<1xi32>
        %rem3A_133 = arith.constant 2 : i32
        %rem3A_134 = arith.remsi %squeeze3A_132, %rem3A_133 : i32
        %mul3A_135 = arith.constant 64 : i32
        %mul3A_136 = arith.muli %rem3A_134, %mul3A_135 : i32
        %slice3A_137 = vector.extract_strided_slice %get3A_115 {offsets = [3], sizes = [1], strides = [1]} : vector<16xi32> to vector<1xi32>
        %squeeze3A_138 = vector.extract %slice3A_137[0] : i32 from vector<1xi32>
        %rem3A_139 = arith.constant 2 : i32
        %rem3A_140 = arith.remsi %squeeze3A_138, %rem3A_139 : i32
        %mul3A_141 = arith.constant 64 : i32
        %mul3A_142 = arith.muli %rem3A_140, %mul3A_141 : i32
        %slice3A_143 = vector.extract_strided_slice %get3A_115 {offsets = [4], sizes = [1], strides = [1]} : vector<16xi32> to vector<1xi32>
        %squeeze3A_144 = vector.extract %slice3A_143[0] : i32 from vector<1xi32>
        %rem3A_145 = arith.constant 2 : i32
        %rem3A_146 = arith.remsi %squeeze3A_144, %rem3A_145 : i32
        %mul3A_147 = arith.constant 64 : i32
        %mul3A_148 = arith.muli %rem3A_146, %mul3A_147 : i32
        %slice3A_149 = vector.extract_strided_slice %get3A_115 {offsets = [5], sizes = [1], strides = [1]} : vector<16xi32> to vector<1xi32>
        %squeeze3A_150 = vector.extract %slice3A_149[0] : i32 from vector<1xi32>
        %rem3A_151 = arith.constant 2 : i32
        %rem3A_152 = arith.remsi %squeeze3A_150, %rem3A_151 : i32
        %mul3A_153 = arith.constant 64 : i32
        %mul3A_154 = arith.muli %rem3A_152, %mul3A_153 : i32
        %slice3A_155 = vector.extract_strided_slice %get3A_115 {offsets = [6], sizes = [1], strides = [1]} : vector<16xi32> to vector<1xi32>
        %squeeze3A_156 = vector.extract %slice3A_155[0] : i32 from vector<1xi32>
        %rem3A_157 = arith.constant 2 : i32
        %rem3A_158 = arith.remsi %squeeze3A_156, %rem3A_157 : i32
        %mul3A_159 = arith.constant 64 : i32
        %mul3A_160 = arith.muli %rem3A_158, %mul3A_159 : i32
        %slice3A_161 = vector.extract_strided_slice %get3A_115 {offsets = [7], sizes = [1], strides = [1]} : vector<16xi32> to vector<1xi32>
        %squeeze3A_162 = vector.extract %slice3A_161[0] : i32 from vector<1xi32>
        %rem3A_163 = arith.constant 2 : i32
        %rem3A_164 = arith.remsi %squeeze3A_162, %rem3A_163 : i32
        %mul3A_165 = arith.constant 64 : i32
        %mul3A_166 = arith.muli %rem3A_164, %mul3A_165 : i32
        %slice3A_167 = vector.extract_strided_slice %get3A_115 {offsets = [8], sizes = [1], strides = [1]} : vector<16xi32> to vector<1xi32>
        %squeeze3A_168 = vector.extract %slice3A_167[0] : i32 from vector<1xi32>
        %rem3A_169 = arith.constant 2 : i32
        %rem3A_170 = arith.remsi %squeeze3A_168, %rem3A_169 : i32
        %mul3A_171 = arith.constant 64 : i32
        %mul3A_172 = arith.muli %rem3A_170, %mul3A_171 : i32
        %slice3A_173 = vector.extract_strided_slice %get3A_115 {offsets = [9], sizes = [1], strides = [1]} : vector<16xi32> to vector<1xi32>
        %squeeze3A_174 = vector.extract %slice3A_173[0] : i32 from vector<1xi32>
        %rem3A_175 = arith.constant 2 : i32
        %rem3A_176 = arith.remsi %squeeze3A_174, %rem3A_175 : i32
        %mul3A_177 = arith.constant 64 : i32
        %mul3A_178 = arith.muli %rem3A_176, %mul3A_177 : i32
        %slice3A_179 = vector.extract_strided_slice %get3A_115 {offsets = [10], sizes = [1], strides = [1]} : vector<16xi32> to vector<1xi32>
        %squeeze3A_180 = vector.extract %slice3A_179[0] : i32 from vector<1xi32>
        %rem3A_181 = arith.constant 2 : i32
        %rem3A_182 = arith.remsi %squeeze3A_180, %rem3A_181 : i32
        %mul3A_183 = arith.constant 64 : i32
        %mul3A_184 = arith.muli %rem3A_182, %mul3A_183 : i32
        %slice3A_185 = vector.extract_strided_slice %get3A_115 {offsets = [11], sizes = [1], strides = [1]} : vector<16xi32> to vector<1xi32>
        %squeeze3A_186 = vector.extract %slice3A_185[0] : i32 from vector<1xi32>
        %rem3A_187 = arith.constant 2 : i32
        %rem3A_188 = arith.remsi %squeeze3A_186, %rem3A_187 : i32
        %mul3A_189 = arith.constant 64 : i32
        %mul3A_190 = arith.muli %rem3A_188, %mul3A_189 : i32
        %slice3A_191 = vector.extract_strided_slice %get3A_115 {offsets = [12], sizes = [1], strides = [1]} : vector<16xi32> to vector<1xi32>
        %squeeze3A_192 = vector.extract %slice3A_191[0] : i32 from vector<1xi32>
        %rem3A_193 = arith.constant 2 : i32
        %rem3A_194 = arith.remsi %squeeze3A_192, %rem3A_193 : i32
        %mul3A_195 = arith.constant 64 : i32
        %mul3A_196 = arith.muli %rem3A_194, %mul3A_195 : i32
        %slice3A_197 = vector.extract_strided_slice %get3A_115 {offsets = [13], sizes = [1], strides = [1]} : vector<16xi32> to vector<1xi32>
        %squeeze3A_198 = vector.extract %slice3A_197[0] : i32 from vector<1xi32>
        %rem3A_199 = arith.constant 2 : i32
        %rem3A_200 = arith.remsi %squeeze3A_198, %rem3A_199 : i32
        %mul3A_201 = arith.constant 64 : i32
        %mul3A_202 = arith.muli %rem3A_200, %mul3A_201 : i32
        %slice3A_203 = vector.extract_strided_slice %get3A_115 {offsets = [14], sizes = [1], strides = [1]} : vector<16xi32> to vector<1xi32>
        %squeeze3A_204 = vector.extract %slice3A_203[0] : i32 from vector<1xi32>
        %rem3A_205 = arith.constant 2 : i32
        %rem3A_206 = arith.remsi %squeeze3A_204, %rem3A_205 : i32
        %mul3A_207 = arith.constant 64 : i32
        %mul3A_208 = arith.muli %rem3A_206, %mul3A_207 : i32
        %slice3A_209 = vector.extract_strided_slice %get3A_115 {offsets = [15], sizes = [1], strides = [1]} : vector<16xi32> to vector<1xi32>
        %squeeze3A_210 = vector.extract %slice3A_209[0] : i32 from vector<1xi32>
        %rem3A_211 = arith.constant 2 : i32
        %rem3A_212 = arith.remsi %squeeze3A_210, %rem3A_211 : i32
        %mul3A_213 = arith.constant 64 : i32
        %mul3A_214 = arith.muli %rem3A_212, %mul3A_213 : i32
        %slice3A_215 = vector.extract_strided_slice %get3A_120 {offsets = [12], sizes = [1], strides = [1]} : vector<16xi32> to vector<1xi32>
        %squeeze3A_216 = vector.extract %slice3A_215[0] : i32 from vector<1xi32>
        %rem3A_217 = arith.constant 2 : i32
        %rem3A_218 = arith.remsi %squeeze3A_216, %rem3A_217 : i32
        %mul3A_219 = arith.constant 64 : i32
        %mul3A_220 = arith.muli %rem3A_218, %mul3A_219 : i32
        %slice3A_221 = vector.extract_strided_slice %get3A_120 {offsets = [13], sizes = [1], strides = [1]} : vector<16xi32> to vector<1xi32>
        %squeeze3A_222 = vector.extract %slice3A_221[0] : i32 from vector<1xi32>
        %rem3A_223 = arith.constant 2 : i32
        %rem3A_224 = arith.remsi %squeeze3A_222, %rem3A_223 : i32
        %mul3A_225 = arith.constant 64 : i32
        %mul3A_226 = arith.muli %rem3A_224, %mul3A_225 : i32
        %slice3A_227 = vector.extract_strided_slice %get3A_120 {offsets = [14], sizes = [1], strides = [1]} : vector<16xi32> to vector<1xi32>
        %squeeze3A_228 = vector.extract %slice3A_227[0] : i32 from vector<1xi32>
        %rem3A_229 = arith.constant 2 : i32
        %rem3A_230 = arith.remsi %squeeze3A_228, %rem3A_229 : i32
        %mul3A_231 = arith.constant 64 : i32
        %mul3A_232 = arith.muli %rem3A_230, %mul3A_231 : i32
        %slice3A_233 = vector.extract_strided_slice %get3A_120 {offsets = [15], sizes = [1], strides = [1]} : vector<16xi32> to vector<1xi32>
        %squeeze3A_234 = vector.extract %slice3A_233[0] : i32 from vector<1xi32>
        %rem3A_235 = arith.constant 2 : i32
        %rem3A_236 = arith.remsi %squeeze3A_234, %rem3A_235 : i32
        %mul3A_237 = arith.constant 64 : i32
        %mul3A_238 = arith.muli %rem3A_236, %mul3A_237 : i32
        %add3A_239 = arith.constant 0 : i32
        %add3A_240 = arith.addi %mul3A_124, %add3A_239 : i32
        %get3A_241 = arith.index_cast %mul3A_110 : i32 to index
        %get3A_242 = arith.index_cast %add3A_240 : i32 to index
        %get3A_243 = tpu.vector_load %arg7[%get3A_241, %get3A_242] {strides = array<i32>} : memref<160x128xf32, #tpu.memory_space<vmem>>, vector<1x16xf32>,
        %get3A_244 = vector.shape_cast %get3A_243 : vector<1x16xf32> to vector<16xf32>
        %add3A_245 = arith.constant 1 : i32
        %add3A_246 = arith.addi %mul3A_110, %add3A_245 : i32
        %add3A_247 = arith.constant 0 : i32
        %add3A_248 = arith.addi %mul3A_130, %add3A_247 : i32
        %get3A_249 = arith.index_cast %add3A_246 : i32 to index
        %get3A_250 = arith.index_cast %add3A_248 : i32 to index
        %get3A_251 = tpu.vector_load %arg7[%get3A_249, %get3A_250] {strides = array<i32>} : memref<160x128xf32, #tpu.memory_space<vmem>>, vector<1x16xf32>,
        %get3A_252 = vector.shape_cast %get3A_251 : vector<1x16xf32> to vector<16xf32>
        %add3A_253 = arith.addf %get3A_244, %get3A_252 : vector<16xf32>
        %add3A_254 = arith.constant 2 : i32
        %add3A_255 = arith.addi %mul3A_110, %add3A_254 : i32
        %add3A_256 = arith.constant 0 : i32
        %add3A_257 = arith.addi %mul3A_136, %add3A_256 : i32
        %get3A_258 = arith.index_cast %add3A_255 : i32 to index
        %get3A_259 = arith.index_cast %add3A_257 : i32 to index
        %get3A_260 = tpu.vector_load %arg7[%get3A_258, %get3A_259] {strides = array<i32>} : memref<160x128xf32, #tpu.memory_space<vmem>>, vector<1x16xf32>,
        %get3A_261 = vector.shape_cast %get3A_260 : vector<1x16xf32> to vector<16xf32>
        %add3A_262 = arith.addf %add3A_253, %get3A_261 : vector<16xf32>
        %add3A_263 = arith.constant 3 : i32
        %add3A_264 = arith.addi %mul3A_110, %add3A_263 : i32
        %add3A_265 = arith.constant 0 : i32
        %add3A_266 = arith.addi %mul3A_142, %add3A_265 : i32
        %get3A_267 = arith.index_cast %add3A_264 : i32 to index
        %get3A_268 = arith.index_cast %add3A_266 : i32 to index
        %get3A_269 = tpu.vector_load %arg7[%get3A_267, %get3A_268] {strides = array<i32>} : memref<160x128xf32, #tpu.memory_space<vmem>>, vector<1x16xf32>,
        %get3A_270 = vector.shape_cast %get3A_269 : vector<1x16xf32> to vector<16xf32>
        %add3A_271 = arith.addf %add3A_262, %get3A_270 : vector<16xf32>
        %add3A_272 = arith.constant 4 : i32
        %add3A_273 = arith.addi %mul3A_110, %add3A_272 : i32
        %add3A_274 = arith.constant 0 : i32
        %add3A_275 = arith.addi %mul3A_148, %add3A_274 : i32
        %get3A_276 = arith.index_cast %add3A_273 : i32 to index
        %get3A_277 = arith.index_cast %add3A_275 : i32 to index
        %get3A_278 = tpu.vector_load %arg7[%get3A_276, %get3A_277] {strides = array<i32>} : memref<160x128xf32, #tpu.memory_space<vmem>>, vector<1x16xf32>,
        %get3A_279 = vector.shape_cast %get3A_278 : vector<1x16xf32> to vector<16xf32>
        %add3A_280 = arith.addf %add3A_271, %get3A_279 : vector<16xf32>
        %add3A_281 = arith.constant 5 : i32
        %add3A_282 = arith.addi %mul3A_110, %add3A_281 : i32
        %add3A_283 = arith.constant 0 : i32
        %add3A_284 = arith.addi %mul3A_154, %add3A_283 : i32
        %get3A_285 = arith.index_cast %add3A_282 : i32 to index
        %get3A_286 = arith.index_cast %add3A_284 : i32 to index
        %get3A_287 = tpu.vector_load %arg7[%get3A_285, %get3A_286] {strides = array<i32>} : memref<160x128xf32, #tpu.memory_space<vmem>>, vector<1x16xf32>,
        %get3A_288 = vector.shape_cast %get3A_287 : vector<1x16xf32> to vector<16xf32>
        %add3A_289 = arith.addf %add3A_280, %get3A_288 : vector<16xf32>
        %add3A_290 = arith.constant 6 : i32
        %add3A_291 = arith.addi %mul3A_110, %add3A_290 : i32
        %add3A_292 = arith.constant 0 : i32
        %add3A_293 = arith.addi %mul3A_160, %add3A_292 : i32
        %get3A_294 = arith.index_cast %add3A_291 : i32 to index
        %get3A_295 = arith.index_cast %add3A_293 : i32 to index
        %get3A_296 = tpu.vector_load %arg7[%get3A_294, %get3A_295] {strides = array<i32>} : memref<160x128xf32, #tpu.memory_space<vmem>>, vector<1x16xf32>,
        %get3A_297 = vector.shape_cast %get3A_296 : vector<1x16xf32> to vector<16xf32>
        %add3A_298 = arith.addf %add3A_289, %get3A_297 : vector<16xf32>
        %add3A_299 = arith.constant 7 : i32
        %add3A_300 = arith.addi %mul3A_110, %add3A_299 : i32
        %add3A_301 = arith.constant 0 : i32
        %add3A_302 = arith.addi %mul3A_166, %add3A_301 : i32
        %get3A_303 = arith.index_cast %add3A_300 : i32 to index
        %get3A_304 = arith.index_cast %add3A_302 : i32 to index
        %get3A_305 = tpu.vector_load %arg7[%get3A_303, %get3A_304] {strides = array<i32>} : memref<160x128xf32, #tpu.memory_space<vmem>>, vector<1x16xf32>,
        %get3A_306 = vector.shape_cast %get3A_305 : vector<1x16xf32> to vector<16xf32>
        %add3A_307 = arith.addf %add3A_298, %get3A_306 : vector<16xf32>
        %add3A_308 = arith.constant 8 : i32
        %add3A_309 = arith.addi %mul3A_110, %add3A_308 : i32
        %add3A_310 = arith.constant 0 : i32
        %add3A_311 = arith.addi %mul3A_172, %add3A_310 : i32
        %get3A_312 = arith.index_cast %add3A_309 : i32 to index
        %get3A_313 = arith.index_cast %add3A_311 : i32 to index
        %get3A_314 = tpu.vector_load %arg7[%get3A_312, %get3A_313] {strides = array<i32>} : memref<160x128xf32, #tpu.memory_space<vmem>>, vector<1x16xf32>,
        %get3A_315 = vector.shape_cast %get3A_314 : vector<1x16xf32> to vector<16xf32>
        %add3A_316 = arith.addf %add3A_307, %get3A_315 : vector<16xf32>
        %add3A_317 = arith.constant 9 : i32
        %add3A_318 = arith.addi %mul3A_110, %add3A_317 : i32
        %add3A_319 = arith.constant 0 : i32
        %add3A_320 = arith.addi %mul3A_178, %add3A_319 : i32
        %get3A_321 = arith.index_cast %add3A_318 : i32 to index
        %get3A_322 = arith.index_cast %add3A_320 : i32 to index
        %get3A_323 = tpu.vector_load %arg7[%get3A_321, %get3A_322] {strides = array<i32>} : memref<160x128xf32, #tpu.memory_space<vmem>>, vector<1x16xf32>,
        %get3A_324 = vector.shape_cast %get3A_323 : vector<1x16xf32> to vector<16xf32>
        %add3A_325 = arith.addf %add3A_316, %get3A_324 : vector<16xf32>
        %add3A_326 = arith.constant 10 : i32
        %add3A_327 = arith.addi %mul3A_110, %add3A_326 : i32
        %add3A_328 = arith.constant 0 : i32
        %add3A_329 = arith.addi %mul3A_184, %add3A_328 : i32
        %get3A_330 = arith.index_cast %add3A_327 : i32 to index
        %get3A_331 = arith.index_cast %add3A_329 : i32 to index
        %get3A_332 = tpu.vector_load %arg7[%get3A_330, %get3A_331] {strides = array<i32>} : memref<160x128xf32, #tpu.memory_space<vmem>>, vector<1x16xf32>,
        %get3A_333 = vector.shape_cast %get3A_332 : vector<1x16xf32> to vector<16xf32>
        %add3A_334 = arith.addf %add3A_325, %get3A_333 : vector<16xf32>
        %add3A_335 = arith.constant 11 : i32
        %add3A_336 = arith.addi %mul3A_110, %add3A_335 : i32
        %add3A_337 = arith.constant 0 : i32
        %add3A_338 = arith.addi %mul3A_190, %add3A_337 : i32
        %get3A_339 = arith.index_cast %add3A_336 : i32 to index
        %get3A_340 = arith.index_cast %add3A_338 : i32 to index
        %get3A_341 = tpu.vector_load %arg7[%get3A_339, %get3A_340] {strides = array<i32>} : memref<160x128xf32, #tpu.memory_space<vmem>>, vector<1x16xf32>,
        %get3A_342 = vector.shape_cast %get3A_341 : vector<1x16xf32> to vector<16xf32>
        %add3A_343 = arith.addf %add3A_334, %get3A_342 : vector<16xf32>
        %add3A_344 = arith.constant 12 : i32
        %add3A_345 = arith.addi %mul3A_110, %add3A_344 : i32
        %add3A_346 = arith.constant 0 : i32
        %add3A_347 = arith.addi %mul3A_196, %add3A_346 : i32
        %get3A_348 = arith.index_cast %add3A_345 : i32 to index
        %get3A_349 = arith.index_cast %add3A_347 : i32 to index
        %get3A_350 = tpu.vector_load %arg7[%get3A_348, %get3A_349] {strides = array<i32>} : memref<160x128xf32, #tpu.memory_space<vmem>>, vector<1x16xf32>,
        %get3A_351 = vector.shape_cast %get3A_350 : vector<1x16xf32> to vector<16xf32>
        %add3A_352 = arith.addf %add3A_343, %get3A_351 : vector<16xf32>
        %add3A_353 = arith.constant 13 : i32
        %add3A_354 = arith.addi %mul3A_110, %add3A_353 : i32
        %add3A_355 = arith.constant 0 : i32
        %add3A_356 = arith.addi %mul3A_202, %add3A_355 : i32
        %get3A_357 = arith.index_cast %add3A_354 : i32 to index
        %get3A_358 = arith.index_cast %add3A_356 : i32 to index
        %get3A_359 = tpu.vector_load %arg7[%get3A_357, %get3A_358] {strides = array<i32>} : memref<160x128xf32, #tpu.memory_space<vmem>>, vector<1x16xf32>,
        %get3A_360 = vector.shape_cast %get3A_359 : vector<1x16xf32> to vector<16xf32>
        %add3A_361 = arith.addf %add3A_352, %get3A_360 : vector<16xf32>
        %add3A_362 = arith.constant 14 : i32
        %add3A_363 = arith.addi %mul3A_110, %add3A_362 : i32
        %add3A_364 = arith.constant 0 : i32
        %add3A_365 = arith.addi %mul3A_208, %add3A_364 : i32
        %get3A_366 = arith.index_cast %add3A_363 : i32 to index
        %get3A_367 = arith.index_cast %add3A_365 : i32 to index
        %get3A_368 = tpu.vector_load %arg7[%get3A_366, %get3A_367] {strides = array<i32>} : memref<160x128xf32, #tpu.memory_space<vmem>>, vector<1x16xf32>,
        %get3A_369 = vector.shape_cast %get3A_368 : vector<1x16xf32> to vector<16xf32>
        %add3A_370 = arith.addf %add3A_361, %get3A_369 : vector<16xf32>
        %add3A_371 = arith.constant 15 : i32
        %add3A_372 = arith.addi %mul3A_110, %add3A_371 : i32
        %add3A_373 = arith.constant 0 : i32
        %add3A_374 = arith.addi %mul3A_214, %add3A_373 : i32
        %get3A_375 = arith.index_cast %add3A_372 : i32 to index
        %get3A_376 = arith.index_cast %add3A_374 : i32 to index
        %get3A_377 = tpu.vector_load %arg7[%get3A_375, %get3A_376] {strides = array<i32>} : memref<160x128xf32, #tpu.memory_space<vmem>>, vector<1x16xf32>,
        %get3A_378 = vector.shape_cast %get3A_377 : vector<1x16xf32> to vector<16xf32>
        %add3A_379 = arith.addf %add3A_370, %get3A_378 : vector<16xf32>
        %add3A_380 = arith.constant 16 : i32
        %add3A_381 = arith.addi %mul3A_110, %add3A_380 : i32
        %add3A_382 = arith.constant 0 : i32
        %add3A_383 = arith.addi %mul3A_220, %add3A_382 : i32
        %get3A_384 = arith.index_cast %add3A_381 : i32 to index
        %get3A_385 = arith.index_cast %add3A_383 : i32 to index
        %get3A_386 = tpu.vector_load %arg7[%get3A_384, %get3A_385] {strides = array<i32>} : memref<160x128xf32, #tpu.memory_space<vmem>>, vector<1x16xf32>,
        %get3A_387 = vector.shape_cast %get3A_386 : vector<1x16xf32> to vector<16xf32>
        %add3A_388 = arith.addf %add3A_379, %get3A_387 : vector<16xf32>
        %add3A_389 = arith.constant 17 : i32
        %add3A_390 = arith.addi %mul3A_110, %add3A_389 : i32
        %add3A_391 = arith.constant 0 : i32
        %add3A_392 = arith.addi %mul3A_226, %add3A_391 : i32
        %get3A_393 = arith.index_cast %add3A_390 : i32 to index
        %get3A_394 = arith.index_cast %add3A_392 : i32 to index
        %get3A_395 = tpu.vector_load %arg7[%get3A_393, %get3A_394] {strides = array<i32>} : memref<160x128xf32, #tpu.memory_space<vmem>>, vector<1x16xf32>,
        %get3A_396 = vector.shape_cast %get3A_395 : vector<1x16xf32> to vector<16xf32>
        %add3A_397 = arith.addf %add3A_388, %get3A_396 : vector<16xf32>
        %add3A_398 = arith.constant 18 : i32
        %add3A_399 = arith.addi %mul3A_110, %add3A_398 : i32
        %add3A_400 = arith.constant 0 : i32
        %add3A_401 = arith.addi %mul3A_232, %add3A_400 : i32
        %get3A_402 = arith.index_cast %add3A_399 : i32 to index
        %get3A_403 = arith.index_cast %add3A_401 : i32 to index
        %get3A_404 = tpu.vector_load %arg7[%get3A_402, %get3A_403] {strides = array<i32>} : memref<160x128xf32, #tpu.memory_space<vmem>>, vector<1x16xf32>,
        %get3A_405 = vector.shape_cast %get3A_404 : vector<1x16xf32> to vector<16xf32>
        %add3A_406 = arith.addf %add3A_397, %get3A_405 : vector<16xf32>
        %add3A_407 = arith.constant 19 : i32
        %add3A_408 = arith.addi %mul3A_110, %add3A_407 : i32
        %add3A_409 = arith.constant 0 : i32
        %add3A_410 = arith.addi %mul3A_238, %add3A_409 : i32
        %get3A_411 = arith.index_cast %add3A_408 : i32 to index
        %get3A_412 = arith.index_cast %add3A_410 : i32 to index
        %get3A_413 = tpu.vector_load %arg7[%get3A_411, %get3A_412] {strides = array<i32>} : memref<160x128xf32, #tpu.memory_space<vmem>>, vector<1x16xf32>,
        %get3A_414 = vector.shape_cast %get3A_413 : vector<1x16xf32> to vector<16xf32>
        %add3A_415 = arith.addf %add3A_406, %get3A_414 : vector<16xf32>
        %mul3A_416 = arith.constant 8 : i32
        %mul3A_417 = arith.muli %add3A_64, %mul3A_416 : i32
        %add3A_418 = arith.addi %mul3A_417, %scan3A_107 : i32
        %swap3A = arith.index_cast %add3A_418 : i32 to index
        %swap3A_419 = arith.constant 0 : index
        %swap3A_420 = tpu.vector_load %arg9[%swap3A, %swap3A_419] {strides = array<i32>} : memref<512x64xf32, #tpu.memory_space<vmem>>, vector<1x16xf32>,
        %swap3A_421 = vector.shape_cast %swap3A_420 : vector<1x16xf32> to vector<16xf32>
        %swap3A_422 = vector.shape_cast %add3A_415 : vector<16xf32> to vector<1x16xf32>
        tpu.vector_store %arg9[%swap3A, %swap3A_419], %swap3A_422 {strides = array<i32>} : memref<512x64xf32, #tpu.memory_space<vmem>>, vector<1x16xf32>,
        %add3A_423 = arith.constant 16 : i32
        %add3A_424 = arith.addi %mul3A_124, %add3A_423 : i32
        %get3A_425 = arith.index_cast %mul3A_110 : i32 to index
        %get3A_426 = arith.index_cast %add3A_424 : i32 to index
        %get3A_427 = tpu.vector_load %arg7[%get3A_425, %get3A_426] {strides = array<i32>} : memref<160x128xf32, #tpu.memory_space<vmem>>, vector<1x16xf32>,
        %get3A_428 = vector.shape_cast %get3A_427 : vector<1x16xf32> to vector<16xf32>
        %add3A_429 = arith.constant 1 : i32
        %add3A_430 = arith.addi %mul3A_110, %add3A_429 : i32
        %add3A_431 = arith.constant 16 : i32
        %add3A_432 = arith.addi %mul3A_130, %add3A_431 : i32
        %get3A_433 = arith.index_cast %add3A_430 : i32 to index
        %get3A_434 = arith.index_cast %add3A_432 : i32 to index
        %get3A_435 = tpu.vector_load %arg7[%get3A_433, %get3A_434] {strides = array<i32>} : memref<160x128xf32, #tpu.memory_space<vmem>>, vector<1x16xf32>,
        %get3A_436 = vector.shape_cast %get3A_435 : vector<1x16xf32> to vector<16xf32>
        %add3A_437 = arith.addf %get3A_428, %get3A_436 : vector<16xf32>
        %add3A_438 = arith.constant 2 : i32
        %add3A_439 = arith.addi %mul3A_110, %add3A_438 : i32
        %add3A_440 = arith.constant 16 : i32
        %add3A_441 = arith.addi %mul3A_136, %add3A_440 : i32
        %get3A_442 = arith.index_cast %add3A_439 : i32 to index
        %get3A_443 = arith.index_cast %add3A_441 : i32 to index
        %get3A_444 = tpu.vector_load %arg7[%get3A_442, %get3A_443] {strides = array<i32>} : memref<160x128xf32, #tpu.memory_space<vmem>>, vector<1x16xf32>,
        %get3A_445 = vector.shape_cast %get3A_444 : vector<1x16xf32> to vector<16xf32>
        %add3A_446 = arith.addf %add3A_437, %get3A_445 : vector<16xf32>
        %add3A_447 = arith.constant 3 : i32
        %add3A_448 = arith.addi %mul3A_110, %add3A_447 : i32
        %add3A_449 = arith.constant 16 : i32
        %add3A_450 = arith.addi %mul3A_142, %add3A_449 : i32
        %get3A_451 = arith.index_cast %add3A_448 : i32 to index
        %get3A_452 = arith.index_cast %add3A_450 : i32 to index
        %get3A_453 = tpu.vector_load %arg7[%get3A_451, %get3A_452] {strides = array<i32>} : memref<160x128xf32, #tpu.memory_space<vmem>>, vector<1x16xf32>,
        %get3A_454 = vector.shape_cast %get3A_453 : vector<1x16xf32> to vector<16xf32>
        %add3A_455 = arith.addf %add3A_446, %get3A_454 : vector<16xf32>
        %add3A_456 = arith.constant 4 : i32
        %add3A_457 = arith.addi %mul3A_110, %add3A_456 : i32
        %add3A_458 = arith.constant 16 : i32
        %add3A_459 = arith.addi %mul3A_148, %add3A_458 : i32
        %get3A_460 = arith.index_cast %add3A_457 : i32 to index
        %get3A_461 = arith.index_cast %add3A_459 : i32 to index
        %get3A_462 = tpu.vector_load %arg7[%get3A_460, %get3A_461] {strides = array<i32>} : memref<160x128xf32, #tpu.memory_space<vmem>>, vector<1x16xf32>,
        %get3A_463 = vector.shape_cast %get3A_462 : vector<1x16xf32> to vector<16xf32>
        %add3A_464 = arith.addf %add3A_455, %get3A_463 : vector<16xf32>
        %add3A_465 = arith.constant 5 : i32
        %add3A_466 = arith.addi %mul3A_110, %add3A_465 : i32
        %add3A_467 = arith.constant 16 : i32
        %add3A_468 = arith.addi %mul3A_154, %add3A_467 : i32
        %get3A_469 = arith.index_cast %add3A_466 : i32 to index
        %get3A_470 = arith.index_cast %add3A_468 : i32 to index
        %get3A_471 = tpu.vector_load %arg7[%get3A_469, %get3A_470] {strides = array<i32>} : memref<160x128xf32, #tpu.memory_space<vmem>>, vector<1x16xf32>,
        %get3A_472 = vector.shape_cast %get3A_471 : vector<1x16xf32> to vector<16xf32>
        %add3A_473 = arith.addf %add3A_464, %get3A_472 : vector<16xf32>
        %add3A_474 = arith.constant 6 : i32
        %add3A_475 = arith.addi %mul3A_110, %add3A_474 : i32
        %add3A_476 = arith.constant 16 : i32
        %add3A_477 = arith.addi %mul3A_160, %add3A_476 : i32
        %get3A_478 = arith.index_cast %add3A_475 : i32 to index
        %get3A_479 = arith.index_cast %add3A_477 : i32 to index
        %get3A_480 = tpu.vector_load %arg7[%get3A_478, %get3A_479] {strides = array<i32>} : memref<160x128xf32, #tpu.memory_space<vmem>>, vector<1x16xf32>,
        %get3A_481 = vector.shape_cast %get3A_480 : vector<1x16xf32> to vector<16xf32>
        %add3A_482 = arith.addf %add3A_473, %get3A_481 : vector<16xf32>
        %add3A_483 = arith.constant 7 : i32
        %add3A_484 = arith.addi %mul3A_110, %add3A_483 : i32
        %add3A_485 = arith.constant 16 : i32
        %add3A_486 = arith.addi %mul3A_166, %add3A_485 : i32
        %get3A_487 = arith.index_cast %add3A_484 : i32 to index
        %get3A_488 = arith.index_cast %add3A_486 : i32 to index
        %get3A_489 = tpu.vector_load %arg7[%get3A_487, %get3A_488] {strides = array<i32>} : memref<160x128xf32, #tpu.memory_space<vmem>>, vector<1x16xf32>,
        %get3A_490 = vector.shape_cast %get3A_489 : vector<1x16xf32> to vector<16xf32>
        %add3A_491 = arith.addf %add3A_482, %get3A_490 : vector<16xf32>
        %add3A_492 = arith.constant 8 : i32
        %add3A_493 = arith.addi %mul3A_110, %add3A_492 : i32
        %add3A_494 = arith.constant 16 : i32
        %add3A_495 = arith.addi %mul3A_172, %add3A_494 : i32
        %get3A_496 = arith.index_cast %add3A_493 : i32 to index
        %get3A_497 = arith.index_cast %add3A_495 : i32 to index
        %get3A_498 = tpu.vector_load %arg7[%get3A_496, %get3A_497] {strides = array<i32>} : memref<160x128xf32, #tpu.memory_space<vmem>>, vector<1x16xf32>,
        %get3A_499 = vector.shape_cast %get3A_498 : vector<1x16xf32> to vector<16xf32>
        %add3A_500 = arith.addf %add3A_491, %get3A_499 : vector<16xf32>
        %add3A_501 = arith.constant 9 : i32
        %add3A_502 = arith.addi %mul3A_110, %add3A_501 : i32
        %add3A_503 = arith.constant 16 : i32
        %add3A_504 = arith.addi %mul3A_178, %add3A_503 : i32
        %get3A_505 = arith.index_cast %add3A_502 : i32 to index
        %get3A_506 = arith.index_cast %add3A_504 : i32 to index
        %get3A_507 = tpu.vector_load %arg7[%get3A_505, %get3A_506] {strides = array<i32>} : memref<160x128xf32, #tpu.memory_space<vmem>>, vector<1x16xf32>,
        %get3A_508 = vector.shape_cast %get3A_507 : vector<1x16xf32> to vector<16xf32>
        %add3A_509 = arith.addf %add3A_500, %get3A_508 : vector<16xf32>
        %add3A_510 = arith.constant 10 : i32
        %add3A_511 = arith.addi %mul3A_110, %add3A_510 : i32
        %add3A_512 = arith.constant 16 : i32
        %add3A_513 = arith.addi %mul3A_184, %add3A_512 : i32
        %get3A_514 = arith.index_cast %add3A_511 : i32 to index
        %get3A_515 = arith.index_cast %add3A_513 : i32 to index
        %get3A_516 = tpu.vector_load %arg7[%get3A_514, %get3A_515] {strides = array<i32>} : memref<160x128xf32, #tpu.memory_space<vmem>>, vector<1x16xf32>,
        %get3A_517 = vector.shape_cast %get3A_516 : vector<1x16xf32> to vector<16xf32>
        %add3A_518 = arith.addf %add3A_509, %get3A_517 : vector<16xf32>
        %add3A_519 = arith.constant 11 : i32
        %add3A_520 = arith.addi %mul3A_110, %add3A_519 : i32
        %add3A_521 = arith.constant 16 : i32
        %add3A_522 = arith.addi %mul3A_190, %add3A_521 : i32
        %get3A_523 = arith.index_cast %add3A_520 : i32 to index
        %get3A_524 = arith.index_cast %add3A_522 : i32 to index
        %get3A_525 = tpu.vector_load %arg7[%get3A_523, %get3A_524] {strides = array<i32>} : memref<160x128xf32, #tpu.memory_space<vmem>>, vector<1x16xf32>,
        %get3A_526 = vector.shape_cast %get3A_525 : vector<1x16xf32> to vector<16xf32>
        %add3A_527 = arith.addf %add3A_518, %get3A_526 : vector<16xf32>
        %add3A_528 = arith.constant 12 : i32
        %add3A_529 = arith.addi %mul3A_110, %add3A_528 : i32
        %add3A_530 = arith.constant 16 : i32
        %add3A_531 = arith.addi %mul3A_196, %add3A_530 : i32
        %get3A_532 = arith.index_cast %add3A_529 : i32 to index
        %get3A_533 = arith.index_cast %add3A_531 : i32 to index
        %get3A_534 = tpu.vector_load %arg7[%get3A_532, %get3A_533] {strides = array<i32>} : memref<160x128xf32, #tpu.memory_space<vmem>>, vector<1x16xf32>,
        %get3A_535 = vector.shape_cast %get3A_534 : vector<1x16xf32> to vector<16xf32>
        %add3A_536 = arith.addf %add3A_527, %get3A_535 : vector<16xf32>
        %add3A_537 = arith.constant 13 : i32
        %add3A_538 = arith.addi %mul3A_110, %add3A_537 : i32
        %add3A_539 = arith.constant 16 : i32
        %add3A_540 = arith.addi %mul3A_202, %add3A_539 : i32
        %get3A_541 = arith.index_cast %add3A_538 : i32 to index
        %get3A_542 = arith.index_cast %add3A_540 : i32 to index
        %get3A_543 = tpu.vector_load %arg7[%get3A_541, %get3A_542] {strides = array<i32>} : memref<160x128xf32, #tpu.memory_space<vmem>>, vector<1x16xf32>,
        %get3A_544 = vector.shape_cast %get3A_543 : vector<1x16xf32> to vector<16xf32>
        %add3A_545 = arith.addf %add3A_536, %get3A_544 : vector<16xf32>
        %add3A_546 = arith.constant 14 : i32
        %add3A_547 = arith.addi %mul3A_110, %add3A_546 : i32
        %add3A_548 = arith.constant 16 : i32
        %add3A_549 = arith.addi %mul3A_208, %add3A_548 : i32
        %get3A_550 = arith.index_cast %add3A_547 : i32 to index
        %get3A_551 = arith.index_cast %add3A_549 : i32 to index
        %get3A_552 = tpu.vector_load %arg7[%get3A_550, %get3A_551] {strides = array<i32>} : memref<160x128xf32, #tpu.memory_space<vmem>>, vector<1x16xf32>,
        %get3A_553 = vector.shape_cast %get3A_552 : vector<1x16xf32> to vector<16xf32>
        %add3A_554 = arith.addf %add3A_545, %get3A_553 : vector<16xf32>
        %add3A_555 = arith.constant 15 : i32
        %add3A_556 = arith.addi %mul3A_110, %add3A_555 : i32
        %add3A_557 = arith.constant 16 : i32
        %add3A_558 = arith.addi %mul3A_214, %add3A_557 : i32
        %get3A_559 = arith.index_cast %add3A_556 : i32 to index
        %get3A_560 = arith.index_cast %add3A_558 : i32 to index
        %get3A_561 = tpu.vector_load %arg7[%get3A_559, %get3A_560] {strides = array<i32>} : memref<160x128xf32, #tpu.memory_space<vmem>>, vector<1x16xf32>,
        %get3A_562 = vector.shape_cast %get3A_561 : vector<1x16xf32> to vector<16xf32>
        %add3A_563 = arith.addf %add3A_554, %get3A_562 : vector<16xf32>
        %add3A_564 = arith.constant 16 : i32
        %add3A_565 = arith.addi %mul3A_110, %add3A_564 : i32
        %add3A_566 = arith.constant 16 : i32
        %add3A_567 = arith.addi %mul3A_220, %add3A_566 : i32
        %get3A_568 = arith.index_cast %add3A_565 : i32 to index
        %get3A_569 = arith.index_cast %add3A_567 : i32 to index
        %get3A_570 = tpu.vector_load %arg7[%get3A_568, %get3A_569] {strides = array<i32>} : memref<160x128xf32, #tpu.memory_space<vmem>>, vector<1x16xf32>,
        %get3A_571 = vector.shape_cast %get3A_570 : vector<1x16xf32> to vector<16xf32>
        %add3A_572 = arith.addf %add3A_563, %get3A_571 : vector<16xf32>
        %add3A_573 = arith.constant 17 : i32
        %add3A_574 = arith.addi %mul3A_110, %add3A_573 : i32
        %add3A_575 = arith.constant 16 : i32
        %add3A_576 = arith.addi %mul3A_226, %add3A_575 : i32
        %get3A_577 = arith.index_cast %add3A_574 : i32 to index
        %get3A_578 = arith.index_cast %add3A_576 : i32 to index
        %get3A_579 = tpu.vector_load %arg7[%get3A_577, %get3A_578] {strides = array<i32>} : memref<160x128xf32, #tpu.memory_space<vmem>>, vector<1x16xf32>,
        %get3A_580 = vector.shape_cast %get3A_579 : vector<1x16xf32> to vector<16xf32>
        %add3A_581 = arith.addf %add3A_572, %get3A_580 : vector<16xf32>
        %add3A_582 = arith.constant 18 : i32
        %add3A_583 = arith.addi %mul3A_110, %add3A_582 : i32
        %add3A_584 = arith.constant 16 : i32
        %add3A_585 = arith.addi %mul3A_232, %add3A_584 : i32
        %get3A_586 = arith.index_cast %add3A_583 : i32 to index
        %get3A_587 = arith.index_cast %add3A_585 : i32 to index
        %get3A_588 = tpu.vector_load %arg7[%get3A_586, %get3A_587] {strides = array<i32>} : memref<160x128xf32, #tpu.memory_space<vmem>>, vector<1x16xf32>,
        %get3A_589 = vector.shape_cast %get3A_588 : vector<1x16xf32> to vector<16xf32>
        %add3A_590 = arith.addf %add3A_581, %get3A_589 : vector<16xf32>
        %add3A_591 = arith.constant 19 : i32
        %add3A_592 = arith.addi %mul3A_110, %add3A_591 : i32
        %add3A_593 = arith.constant 16 : i32
        %add3A_594 = arith.addi %mul3A_238, %add3A_593 : i32
        %get3A_595 = arith.index_cast %add3A_592 : i32 to index
        %get3A_596 = arith.index_cast %add3A_594 : i32 to index
        %get3A_597 = tpu.vector_load %arg7[%get3A_595, %get3A_596] {strides = array<i32>} : memref<160x128xf32, #tpu.memory_space<vmem>>, vector<1x16xf32>,
        %get3A_598 = vector.shape_cast %get3A_597 : vector<1x16xf32> to vector<16xf32>
        %add3A_599 = arith.addf %add3A_590, %get3A_598 : vector<16xf32>
        %mul3A_600 = arith.constant 8 : i32
        %mul3A_601 = arith.muli %add3A_64, %mul3A_600 : i32
        %add3A_602 = arith.addi %mul3A_601, %scan3A_107 : i32
        %swap3A_603 = arith.index_cast %add3A_602 : i32 to index
        %swap3A_604 = arith.constant 16 : index
        %swap3A_605 = tpu.vector_load %arg9[%swap3A_603, %swap3A_604] {strides = array<i32>} : memref<512x64xf32, #tpu.memory_space<vmem>>, vector<1x16xf32>,
        %swap3A_606 = vector.shape_cast %swap3A_605 : vector<1x16xf32> to vector<16xf32>
        %swap3A_607 = vector.shape_cast %add3A_599 : vector<16xf32> to vector<1x16xf32>
        tpu.vector_store %arg9[%swap3A_603, %swap3A_604], %swap3A_607 {strides = array<i32>} : memref<512x64xf32, #tpu.memory_space<vmem>>, vector<1x16xf32>,
        %add3A_608 = arith.constant 32 : i32
        %add3A_609 = arith.addi %mul3A_124, %add3A_608 : i32
        %get3A_610 = arith.index_cast %mul3A_110 : i32 to index
        %get3A_611 = arith.index_cast %add3A_609 : i32 to index
        %get3A_612 = tpu.vector_load %arg7[%get3A_610, %get3A_611] {strides = array<i32>} : memref<160x128xf32, #tpu.memory_space<vmem>>, vector<1x16xf32>,
        %get3A_613 = vector.shape_cast %get3A_612 : vector<1x16xf32> to vector<16xf32>
        %add3A_614 = arith.constant 1 : i32
        %add3A_615 = arith.addi %mul3A_110, %add3A_614 : i32
        %add3A_616 = arith.constant 32 : i32
        %add3A_617 = arith.addi %mul3A_130, %add3A_616 : i32
        %get3A_618 = arith.index_cast %add3A_615 : i32 to index
        %get3A_619 = arith.index_cast %add3A_617 : i32 to index
        %get3A_620 = tpu.vector_load %arg7[%get3A_618, %get3A_619] {strides = array<i32>} : memref<160x128xf32, #tpu.memory_space<vmem>>, vector<1x16xf32>,
        %get3A_621 = vector.shape_cast %get3A_620 : vector<1x16xf32> to vector<16xf32>
        %add3A_622 = arith.addf %get3A_613, %get3A_621 : vector<16xf32>
        %add3A_623 = arith.constant 2 : i32
        %add3A_624 = arith.addi %mul3A_110, %add3A_623 : i32
        %add3A_625 = arith.constant 32 : i32
        %add3A_626 = arith.addi %mul3A_136, %add3A_625 : i32
        %get3A_627 = arith.index_cast %add3A_624 : i32 to index
        %get3A_628 = arith.index_cast %add3A_626 : i32 to index
        %get3A_629 = tpu.vector_load %arg7[%get3A_627, %get3A_628] {strides = array<i32>} : memref<160x128xf32, #tpu.memory_space<vmem>>, vector<1x16xf32>,
        %get3A_630 = vector.shape_cast %get3A_629 : vector<1x16xf32> to vector<16xf32>
        %add3A_631 = arith.addf %add3A_622, %get3A_630 : vector<16xf32>
        %add3A_632 = arith.constant 3 : i32
        %add3A_633 = arith.addi %mul3A_110, %add3A_632 : i32
        %add3A_634 = arith.constant 32 : i32
        %add3A_635 = arith.addi %mul3A_142, %add3A_634 : i32
        %get3A_636 = arith.index_cast %add3A_633 : i32 to index
        %get3A_637 = arith.index_cast %add3A_635 : i32 to index
        %get3A_638 = tpu.vector_load %arg7[%get3A_636, %get3A_637] {strides = array<i32>} : memref<160x128xf32, #tpu.memory_space<vmem>>, vector<1x16xf32>,
        %get3A_639 = vector.shape_cast %get3A_638 : vector<1x16xf32> to vector<16xf32>
        %add3A_640 = arith.addf %add3A_631, %get3A_639 : vector<16xf32>
        %add3A_641 = arith.constant 4 : i32
        %add3A_642 = arith.addi %mul3A_110, %add3A_641 : i32
        %add3A_643 = arith.constant 32 : i32
        %add3A_644 = arith.addi %mul3A_148, %add3A_643 : i32
        %get3A_645 = arith.index_cast %add3A_642 : i32 to index
        %get3A_646 = arith.index_cast %add3A_644 : i32 to index
        %get3A_647 = tpu.vector_load %arg7[%get3A_645, %get3A_646] {strides = array<i32>} : memref<160x128xf32, #tpu.memory_space<vmem>>, vector<1x16xf32>,
        %get3A_648 = vector.shape_cast %get3A_647 : vector<1x16xf32> to vector<16xf32>
        %add3A_649 = arith.addf %add3A_640, %get3A_648 : vector<16xf32>
        %add3A_650 = arith.constant 5 : i32
        %add3A_651 = arith.addi %mul3A_110, %add3A_650 : i32
        %add3A_652 = arith.constant 32 : i32
        %add3A_653 = arith.addi %mul3A_154, %add3A_652 : i32
        %get3A_654 = arith.index_cast %add3A_651 : i32 to index
        %get3A_655 = arith.index_cast %add3A_653 : i32 to index
        %get3A_656 = tpu.vector_load %arg7[%get3A_654, %get3A_655] {strides = array<i32>} : memref<160x128xf32, #tpu.memory_space<vmem>>, vector<1x16xf32>,
        %get3A_657 = vector.shape_cast %get3A_656 : vector<1x16xf32> to vector<16xf32>
        %add3A_658 = arith.addf %add3A_649, %get3A_657 : vector<16xf32>
        %add3A_659 = arith.constant 6 : i32
        %add3A_660 = arith.addi %mul3A_110, %add3A_659 : i32
        %add3A_661 = arith.constant 32 : i32
        %add3A_662 = arith.addi %mul3A_160, %add3A_661 : i32
        %get3A_663 = arith.index_cast %add3A_660 : i32 to index
        %get3A_664 = arith.index_cast %add3A_662 : i32 to index
        %get3A_665 = tpu.vector_load %arg7[%get3A_663, %get3A_664] {strides = array<i32>} : memref<160x128xf32, #tpu.memory_space<vmem>>, vector<1x16xf32>,
        %get3A_666 = vector.shape_cast %get3A_665 : vector<1x16xf32> to vector<16xf32>
        %add3A_667 = arith.addf %add3A_658, %get3A_666 : vector<16xf32>
        %add3A_668 = arith.constant 7 : i32
        %add3A_669 = arith.addi %mul3A_110, %add3A_668 : i32
        %add3A_670 = arith.constant 32 : i32
        %add3A_671 = arith.addi %mul3A_166, %add3A_670 : i32
        %get3A_672 = arith.index_cast %add3A_669 : i32 to index
        %get3A_673 = arith.index_cast %add3A_671 : i32 to index
        %get3A_674 = tpu.vector_load %arg7[%get3A_672, %get3A_673] {strides = array<i32>} : memref<160x128xf32, #tpu.memory_space<vmem>>, vector<1x16xf32>,
        %get3A_675 = vector.shape_cast %get3A_674 : vector<1x16xf32> to vector<16xf32>
        %add3A_676 = arith.addf %add3A_667, %get3A_675 : vector<16xf32>
        %add3A_677 = arith.constant 8 : i32
        %add3A_678 = arith.addi %mul3A_110, %add3A_677 : i32
        %add3A_679 = arith.constant 32 : i32
        %add3A_680 = arith.addi %mul3A_172, %add3A_679 : i32
        %get3A_681 = arith.index_cast %add3A_678 : i32 to index
        %get3A_682 = arith.index_cast %add3A_680 : i32 to index
        %get3A_683 = tpu.vector_load %arg7[%get3A_681, %get3A_682] {strides = array<i32>} : memref<160x128xf32, #tpu.memory_space<vmem>>, vector<1x16xf32>,
        %get3A_684 = vector.shape_cast %get3A_683 : vector<1x16xf32> to vector<16xf32>
        %add3A_685 = arith.addf %add3A_676, %get3A_684 : vector<16xf32>
        %add3A_686 = arith.constant 9 : i32
        %add3A_687 = arith.addi %mul3A_110, %add3A_686 : i32
        %add3A_688 = arith.constant 32 : i32
        %add3A_689 = arith.addi %mul3A_178, %add3A_688 : i32
        %get3A_690 = arith.index_cast %add3A_687 : i32 to index
        %get3A_691 = arith.index_cast %add3A_689 : i32 to index
        %get3A_692 = tpu.vector_load %arg7[%get3A_690, %get3A_691] {strides = array<i32>} : memref<160x128xf32, #tpu.memory_space<vmem>>, vector<1x16xf32>,
        %get3A_693 = vector.shape_cast %get3A_692 : vector<1x16xf32> to vector<16xf32>
        %add3A_694 = arith.addf %add3A_685, %get3A_693 : vector<16xf32>
        %add3A_695 = arith.constant 10 : i32
        %add3A_696 = arith.addi %mul3A_110, %add3A_695 : i32
        %add3A_697 = arith.constant 32 : i32
        %add3A_698 = arith.addi %mul3A_184, %add3A_697 : i32
        %get3A_699 = arith.index_cast %add3A_696 : i32 to index
        %get3A_700 = arith.index_cast %add3A_698 : i32 to index
        %get3A_701 = tpu.vector_load %arg7[%get3A_699, %get3A_700] {strides = array<i32>} : memref<160x128xf32, #tpu.memory_space<vmem>>, vector<1x16xf32>,
        %get3A_702 = vector.shape_cast %get3A_701 : vector<1x16xf32> to vector<16xf32>
        %add3A_703 = arith.addf %add3A_694, %get3A_702 : vector<16xf32>
        %add3A_704 = arith.constant 11 : i32
        %add3A_705 = arith.addi %mul3A_110, %add3A_704 : i32
        %add3A_706 = arith.constant 32 : i32
        %add3A_707 = arith.addi %mul3A_190, %add3A_706 : i32
        %get3A_708 = arith.index_cast %add3A_705 : i32 to index
        %get3A_709 = arith.index_cast %add3A_707 : i32 to index
        %get3A_710 = tpu.vector_load %arg7[%get3A_708, %get3A_709] {strides = array<i32>} : memref<160x128xf32, #tpu.memory_space<vmem>>, vector<1x16xf32>,
        %get3A_711 = vector.shape_cast %get3A_710 : vector<1x16xf32> to vector<16xf32>
        %add3A_712 = arith.addf %add3A_703, %get3A_711 : vector<16xf32>
        %add3A_713 = arith.constant 12 : i32
        %add3A_714 = arith.addi %mul3A_110, %add3A_713 : i32
        %add3A_715 = arith.constant 32 : i32
        %add3A_716 = arith.addi %mul3A_196, %add3A_715 : i32
        %get3A_717 = arith.index_cast %add3A_714 : i32 to index
        %get3A_718 = arith.index_cast %add3A_716 : i32 to index
        %get3A_719 = tpu.vector_load %arg7[%get3A_717, %get3A_718] {strides = array<i32>} : memref<160x128xf32, #tpu.memory_space<vmem>>, vector<1x16xf32>,
        %get3A_720 = vector.shape_cast %get3A_719 : vector<1x16xf32> to vector<16xf32>
        %add3A_721 = arith.addf %add3A_712, %get3A_720 : vector<16xf32>
        %add3A_722 = arith.constant 13 : i32
        %add3A_723 = arith.addi %mul3A_110, %add3A_722 : i32
        %add3A_724 = arith.constant 32 : i32
        %add3A_725 = arith.addi %mul3A_202, %add3A_724 : i32
        %get3A_726 = arith.index_cast %add3A_723 : i32 to index
        %get3A_727 = arith.index_cast %add3A_725 : i32 to index
        %get3A_728 = tpu.vector_load %arg7[%get3A_726, %get3A_727] {strides = array<i32>} : memref<160x128xf32, #tpu.memory_space<vmem>>, vector<1x16xf32>,
        %get3A_729 = vector.shape_cast %get3A_728 : vector<1x16xf32> to vector<16xf32>
        %add3A_730 = arith.addf %add3A_721, %get3A_729 : vector<16xf32>
        %add3A_731 = arith.constant 14 : i32
        %add3A_732 = arith.addi %mul3A_110, %add3A_731 : i32
        %add3A_733 = arith.constant 32 : i32
        %add3A_734 = arith.addi %mul3A_208, %add3A_733 : i32
        %get3A_735 = arith.index_cast %add3A_732 : i32 to index
        %get3A_736 = arith.index_cast %add3A_734 : i32 to index
        %get3A_737 = tpu.vector_load %arg7[%get3A_735, %get3A_736] {strides = array<i32>} : memref<160x128xf32, #tpu.memory_space<vmem>>, vector<1x16xf32>,
        %get3A_738 = vector.shape_cast %get3A_737 : vector<1x16xf32> to vector<16xf32>
        %add3A_739 = arith.addf %add3A_730, %get3A_738 : vector<16xf32>
        %add3A_740 = arith.constant 15 : i32
        %add3A_741 = arith.addi %mul3A_110, %add3A_740 : i32
        %add3A_742 = arith.constant 32 : i32
        %add3A_743 = arith.addi %mul3A_214, %add3A_742 : i32
        %get3A_744 = arith.index_cast %add3A_741 : i32 to index
        %get3A_745 = arith.index_cast %add3A_743 : i32 to index
        %get3A_746 = tpu.vector_load %arg7[%get3A_744, %get3A_745] {strides = array<i32>} : memref<160x128xf32, #tpu.memory_space<vmem>>, vector<1x16xf32>,
        %get3A_747 = vector.shape_cast %get3A_746 : vector<1x16xf32> to vector<16xf32>
        %add3A_748 = arith.addf %add3A_739, %get3A_747 : vector<16xf32>
        %add3A_749 = arith.constant 16 : i32
        %add3A_750 = arith.addi %mul3A_110, %add3A_749 : i32
        %add3A_751 = arith.constant 32 : i32
        %add3A_752 = arith.addi %mul3A_220, %add3A_751 : i32
        %get3A_753 = arith.index_cast %add3A_750 : i32 to index
        %get3A_754 = arith.index_cast %add3A_752 : i32 to index
        %get3A_755 = tpu.vector_load %arg7[%get3A_753, %get3A_754] {strides = array<i32>} : memref<160x128xf32, #tpu.memory_space<vmem>>, vector<1x16xf32>,
        %get3A_756 = vector.shape_cast %get3A_755 : vector<1x16xf32> to vector<16xf32>
        %add3A_757 = arith.addf %add3A_748, %get3A_756 : vector<16xf32>
        %add3A_758 = arith.constant 17 : i32
        %add3A_759 = arith.addi %mul3A_110, %add3A_758 : i32
        %add3A_760 = arith.constant 32 : i32
        %add3A_761 = arith.addi %mul3A_226, %add3A_760 : i32
        %get3A_762 = arith.index_cast %add3A_759 : i32 to index
        %get3A_763 = arith.index_cast %add3A_761 : i32 to index
        %get3A_764 = tpu.vector_load %arg7[%get3A_762, %get3A_763] {strides = array<i32>} : memref<160x128xf32, #tpu.memory_space<vmem>>, vector<1x16xf32>,
        %get3A_765 = vector.shape_cast %get3A_764 : vector<1x16xf32> to vector<16xf32>
        %add3A_766 = arith.addf %add3A_757, %get3A_765 : vector<16xf32>
        %add3A_767 = arith.constant 18 : i32
        %add3A_768 = arith.addi %mul3A_110, %add3A_767 : i32
        %add3A_769 = arith.constant 32 : i32
        %add3A_770 = arith.addi %mul3A_232, %add3A_769 : i32
        %get3A_771 = arith.index_cast %add3A_768 : i32 to index
        %get3A_772 = arith.index_cast %add3A_770 : i32 to index
        %get3A_773 = tpu.vector_load %arg7[%get3A_771, %get3A_772] {strides = array<i32>} : memref<160x128xf32, #tpu.memory_space<vmem>>, vector<1x16xf32>,
        %get3A_774 = vector.shape_cast %get3A_773 : vector<1x16xf32> to vector<16xf32>
        %add3A_775 = arith.addf %add3A_766, %get3A_774 : vector<16xf32>
        %add3A_776 = arith.constant 19 : i32
        %add3A_777 = arith.addi %mul3A_110, %add3A_776 : i32
        %add3A_778 = arith.constant 32 : i32
        %add3A_779 = arith.addi %mul3A_238, %add3A_778 : i32
        %get3A_780 = arith.index_cast %add3A_777 : i32 to index
        %get3A_781 = arith.index_cast %add3A_779 : i32 to index
        %get3A_782 = tpu.vector_load %arg7[%get3A_780, %get3A_781] {strides = array<i32>} : memref<160x128xf32, #tpu.memory_space<vmem>>, vector<1x16xf32>,
        %get3A_783 = vector.shape_cast %get3A_782 : vector<1x16xf32> to vector<16xf32>
        %add3A_784 = arith.addf %add3A_775, %get3A_783 : vector<16xf32>
        %mul3A_785 = arith.constant 8 : i32
        %mul3A_786 = arith.muli %add3A_64, %mul3A_785 : i32
        %add3A_787 = arith.addi %mul3A_786, %scan3A_107 : i32
        %swap3A_788 = arith.index_cast %add3A_787 : i32 to index
        %swap3A_789 = arith.constant 32 : index
        %swap3A_790 = tpu.vector_load %arg9[%swap3A_788, %swap3A_789] {strides = array<i32>} : memref<512x64xf32, #tpu.memory_space<vmem>>, vector<1x16xf32>,
        %swap3A_791 = vector.shape_cast %swap3A_790 : vector<1x16xf32> to vector<16xf32>
        %swap3A_792 = vector.shape_cast %add3A_784 : vector<16xf32> to vector<1x16xf32>
        tpu.vector_store %arg9[%swap3A_788, %swap3A_789], %swap3A_792 {strides = array<i32>} : memref<512x64xf32, #tpu.memory_space<vmem>>, vector<1x16xf32>,
        %add3A_793 = arith.constant 48 : i32
        %add3A_794 = arith.addi %mul3A_124, %add3A_793 : i32
        %get3A_795 = arith.index_cast %mul3A_110 : i32 to index
        %get3A_796 = arith.index_cast %add3A_794 : i32 to index
        %get3A_797 = tpu.vector_load %arg7[%get3A_795, %get3A_796] {strides = array<i32>} : memref<160x128xf32, #tpu.memory_space<vmem>>, vector<1x16xf32>,
        %get3A_798 = vector.shape_cast %get3A_797 : vector<1x16xf32> to vector<16xf32>
        %add3A_799 = arith.constant 1 : i32
        %add3A_800 = arith.addi %mul3A_110, %add3A_799 : i32
        %add3A_801 = arith.constant 48 : i32
        %add3A_802 = arith.addi %mul3A_130, %add3A_801 : i32
        %get3A_803 = arith.index_cast %add3A_800 : i32 to index
        %get3A_804 = arith.index_cast %add3A_802 : i32 to index
        %get3A_805 = tpu.vector_load %arg7[%get3A_803, %get3A_804] {strides = array<i32>} : memref<160x128xf32, #tpu.memory_space<vmem>>, vector<1x16xf32>,
        %get3A_806 = vector.shape_cast %get3A_805 : vector<1x16xf32> to vector<16xf32>
        %add3A_807 = arith.addf %get3A_798, %get3A_806 : vector<16xf32>
        %add3A_808 = arith.constant 2 : i32
        %add3A_809 = arith.addi %mul3A_110, %add3A_808 : i32
        %add3A_810 = arith.constant 48 : i32
        %add3A_811 = arith.addi %mul3A_136, %add3A_810 : i32
        %get3A_812 = arith.index_cast %add3A_809 : i32 to index
        %get3A_813 = arith.index_cast %add3A_811 : i32 to index
        %get3A_814 = tpu.vector_load %arg7[%get3A_812, %get3A_813] {strides = array<i32>} : memref<160x128xf32, #tpu.memory_space<vmem>>, vector<1x16xf32>,
        %get3A_815 = vector.shape_cast %get3A_814 : vector<1x16xf32> to vector<16xf32>
        %add3A_816 = arith.addf %add3A_807, %get3A_815 : vector<16xf32>
        %add3A_817 = arith.constant 3 : i32
        %add3A_818 = arith.addi %mul3A_110, %add3A_817 : i32
        %add3A_819 = arith.constant 48 : i32
        %add3A_820 = arith.addi %mul3A_142, %add3A_819 : i32
        %get3A_821 = arith.index_cast %add3A_818 : i32 to index
        %get3A_822 = arith.index_cast %add3A_820 : i32 to index
        %get3A_823 = tpu.vector_load %arg7[%get3A_821, %get3A_822] {strides = array<i32>} : memref<160x128xf32, #tpu.memory_space<vmem>>, vector<1x16xf32>,
        %get3A_824 = vector.shape_cast %get3A_823 : vector<1x16xf32> to vector<16xf32>
        %add3A_825 = arith.addf %add3A_816, %get3A_824 : vector<16xf32>
        %add3A_826 = arith.constant 4 : i32
        %add3A_827 = arith.addi %mul3A_110, %add3A_826 : i32
        %add3A_828 = arith.constant 48 : i32
        %add3A_829 = arith.addi %mul3A_148, %add3A_828 : i32
        %get3A_830 = arith.index_cast %add3A_827 : i32 to index
        %get3A_831 = arith.index_cast %add3A_829 : i32 to index
        %get3A_832 = tpu.vector_load %arg7[%get3A_830, %get3A_831] {strides = array<i32>} : memref<160x128xf32, #tpu.memory_space<vmem>>, vector<1x16xf32>,
        %get3A_833 = vector.shape_cast %get3A_832 : vector<1x16xf32> to vector<16xf32>
        %add3A_834 = arith.addf %add3A_825, %get3A_833 : vector<16xf32>
        %add3A_835 = arith.constant 5 : i32
        %add3A_836 = arith.addi %mul3A_110, %add3A_835 : i32
        %add3A_837 = arith.constant 48 : i32
        %add3A_838 = arith.addi %mul3A_154, %add3A_837 : i32
        %get3A_839 = arith.index_cast %add3A_836 : i32 to index
        %get3A_840 = arith.index_cast %add3A_838 : i32 to index
        %get3A_841 = tpu.vector_load %arg7[%get3A_839, %get3A_840] {strides = array<i32>} : memref<160x128xf32, #tpu.memory_space<vmem>>, vector<1x16xf32>,
        %get3A_842 = vector.shape_cast %get3A_841 : vector<1x16xf32> to vector<16xf32>
        %add3A_843 = arith.addf %add3A_834, %get3A_842 : vector<16xf32>
        %add3A_844 = arith.constant 6 : i32
        %add3A_845 = arith.addi %mul3A_110, %add3A_844 : i32
        %add3A_846 = arith.constant 48 : i32
        %add3A_847 = arith.addi %mul3A_160, %add3A_846 : i32
        %get3A_848 = arith.index_cast %add3A_845 : i32 to index
        %get3A_849 = arith.index_cast %add3A_847 : i32 to index
        %get3A_850 = tpu.vector_load %arg7[%get3A_848, %get3A_849] {strides = array<i32>} : memref<160x128xf32, #tpu.memory_space<vmem>>, vector<1x16xf32>,
        %get3A_851 = vector.shape_cast %get3A_850 : vector<1x16xf32> to vector<16xf32>
        %add3A_852 = arith.addf %add3A_843, %get3A_851 : vector<16xf32>
        %add3A_853 = arith.constant 7 : i32
        %add3A_854 = arith.addi %mul3A_110, %add3A_853 : i32
        %add3A_855 = arith.constant 48 : i32
        %add3A_856 = arith.addi %mul3A_166, %add3A_855 : i32
        %get3A_857 = arith.index_cast %add3A_854 : i32 to index
        %get3A_858 = arith.index_cast %add3A_856 : i32 to index
        %get3A_859 = tpu.vector_load %arg7[%get3A_857, %get3A_858] {strides = array<i32>} : memref<160x128xf32, #tpu.memory_space<vmem>>, vector<1x16xf32>,
        %get3A_860 = vector.shape_cast %get3A_859 : vector<1x16xf32> to vector<16xf32>
        %add3A_861 = arith.addf %add3A_852, %get3A_860 : vector<16xf32>
        %add3A_862 = arith.constant 8 : i32
        %add3A_863 = arith.addi %mul3A_110, %add3A_862 : i32
        %add3A_864 = arith.constant 48 : i32
        %add3A_865 = arith.addi %mul3A_172, %add3A_864 : i32
        %get3A_866 = arith.index_cast %add3A_863 : i32 to index
        %get3A_867 = arith.index_cast %add3A_865 : i32 to index
        %get3A_868 = tpu.vector_load %arg7[%get3A_866, %get3A_867] {strides = array<i32>} : memref<160x128xf32, #tpu.memory_space<vmem>>, vector<1x16xf32>,
        %get3A_869 = vector.shape_cast %get3A_868 : vector<1x16xf32> to vector<16xf32>
        %add3A_870 = arith.addf %add3A_861, %get3A_869 : vector<16xf32>
        %add3A_871 = arith.constant 9 : i32
        %add3A_872 = arith.addi %mul3A_110, %add3A_871 : i32
        %add3A_873 = arith.constant 48 : i32
        %add3A_874 = arith.addi %mul3A_178, %add3A_873 : i32
        %get3A_875 = arith.index_cast %add3A_872 : i32 to index
        %get3A_876 = arith.index_cast %add3A_874 : i32 to index
        %get3A_877 = tpu.vector_load %arg7[%get3A_875, %get3A_876] {strides = array<i32>} : memref<160x128xf32, #tpu.memory_space<vmem>>, vector<1x16xf32>,
        %get3A_878 = vector.shape_cast %get3A_877 : vector<1x16xf32> to vector<16xf32>
        %add3A_879 = arith.addf %add3A_870, %get3A_878 : vector<16xf32>
        %add3A_880 = arith.constant 10 : i32
        %add3A_881 = arith.addi %mul3A_110, %add3A_880 : i32
        %add3A_882 = arith.constant 48 : i32
        %add3A_883 = arith.addi %mul3A_184, %add3A_882 : i32
        %get3A_884 = arith.index_cast %add3A_881 : i32 to index
        %get3A_885 = arith.index_cast %add3A_883 : i32 to index
        %get3A_886 = tpu.vector_load %arg7[%get3A_884, %get3A_885] {strides = array<i32>} : memref<160x128xf32, #tpu.memory_space<vmem>>, vector<1x16xf32>,
        %get3A_887 = vector.shape_cast %get3A_886 : vector<1x16xf32> to vector<16xf32>
        %add3A_888 = arith.addf %add3A_879, %get3A_887 : vector<16xf32>
        %add3A_889 = arith.constant 11 : i32
        %add3A_890 = arith.addi %mul3A_110, %add3A_889 : i32
        %add3A_891 = arith.constant 48 : i32
        %add3A_892 = arith.addi %mul3A_190, %add3A_891 : i32
        %get3A_893 = arith.index_cast %add3A_890 : i32 to index
        %get3A_894 = arith.index_cast %add3A_892 : i32 to index
        %get3A_895 = tpu.vector_load %arg7[%get3A_893, %get3A_894] {strides = array<i32>} : memref<160x128xf32, #tpu.memory_space<vmem>>, vector<1x16xf32>,
        %get3A_896 = vector.shape_cast %get3A_895 : vector<1x16xf32> to vector<16xf32>
        %add3A_897 = arith.addf %add3A_888, %get3A_896 : vector<16xf32>
        %add3A_898 = arith.constant 12 : i32
        %add3A_899 = arith.addi %mul3A_110, %add3A_898 : i32
        %add3A_900 = arith.constant 48 : i32
        %add3A_901 = arith.addi %mul3A_196, %add3A_900 : i32
        %get3A_902 = arith.index_cast %add3A_899 : i32 to index
        %get3A_903 = arith.index_cast %add3A_901 : i32 to index
        %get3A_904 = tpu.vector_load %arg7[%get3A_902, %get3A_903] {strides = array<i32>} : memref<160x128xf32, #tpu.memory_space<vmem>>, vector<1x16xf32>,
        %get3A_905 = vector.shape_cast %get3A_904 : vector<1x16xf32> to vector<16xf32>
        %add3A_906 = arith.addf %add3A_897, %get3A_905 : vector<16xf32>
        %add3A_907 = arith.constant 13 : i32
        %add3A_908 = arith.addi %mul3A_110, %add3A_907 : i32
        %add3A_909 = arith.constant 48 : i32
        %add3A_910 = arith.addi %mul3A_202, %add3A_909 : i32
        %get3A_911 = arith.index_cast %add3A_908 : i32 to index
        %get3A_912 = arith.index_cast %add3A_910 : i32 to index
        %get3A_913 = tpu.vector_load %arg7[%get3A_911, %get3A_912] {strides = array<i32>} : memref<160x128xf32, #tpu.memory_space<vmem>>, vector<1x16xf32>,
        %get3A_914 = vector.shape_cast %get3A_913 : vector<1x16xf32> to vector<16xf32>
        %add3A_915 = arith.addf %add3A_906, %get3A_914 : vector<16xf32>
        %add3A_916 = arith.constant 14 : i32
        %add3A_917 = arith.addi %mul3A_110, %add3A_916 : i32
        %add3A_918 = arith.constant 48 : i32
        %add3A_919 = arith.addi %mul3A_208, %add3A_918 : i32
        %get3A_920 = arith.index_cast %add3A_917 : i32 to index
        %get3A_921 = arith.index_cast %add3A_919 : i32 to index
        %get3A_922 = tpu.vector_load %arg7[%get3A_920, %get3A_921] {strides = array<i32>} : memref<160x128xf32, #tpu.memory_space<vmem>>, vector<1x16xf32>,
        %get3A_923 = vector.shape_cast %get3A_922 : vector<1x16xf32> to vector<16xf32>
        %add3A_924 = arith.addf %add3A_915, %get3A_923 : vector<16xf32>
        %add3A_925 = arith.constant 15 : i32
        %add3A_926 = arith.addi %mul3A_110, %add3A_925 : i32
        %add3A_927 = arith.constant 48 : i32
        %add3A_928 = arith.addi %mul3A_214, %add3A_927 : i32
        %get3A_929 = arith.index_cast %add3A_926 : i32 to index
        %get3A_930 = arith.index_cast %add3A_928 : i32 to index
        %get3A_931 = tpu.vector_load %arg7[%get3A_929, %get3A_930] {strides = array<i32>} : memref<160x128xf32, #tpu.memory_space<vmem>>, vector<1x16xf32>,
        %get3A_932 = vector.shape_cast %get3A_931 : vector<1x16xf32> to vector<16xf32>
        %add3A_933 = arith.addf %add3A_924, %get3A_932 : vector<16xf32>
        %add3A_934 = arith.constant 16 : i32
        %add3A_935 = arith.addi %mul3A_110, %add3A_934 : i32
        %add3A_936 = arith.constant 48 : i32
        %add3A_937 = arith.addi %mul3A_220, %add3A_936 : i32
        %get3A_938 = arith.index_cast %add3A_935 : i32 to index
        %get3A_939 = arith.index_cast %add3A_937 : i32 to index
        %get3A_940 = tpu.vector_load %arg7[%get3A_938, %get3A_939] {strides = array<i32>} : memref<160x128xf32, #tpu.memory_space<vmem>>, vector<1x16xf32>,
        %get3A_941 = vector.shape_cast %get3A_940 : vector<1x16xf32> to vector<16xf32>
        %add3A_942 = arith.addf %add3A_933, %get3A_941 : vector<16xf32>
        %add3A_943 = arith.constant 17 : i32
        %add3A_944 = arith.addi %mul3A_110, %add3A_943 : i32
        %add3A_945 = arith.constant 48 : i32
        %add3A_946 = arith.addi %mul3A_226, %add3A_945 : i32
        %get3A_947 = arith.index_cast %add3A_944 : i32 to index
        %get3A_948 = arith.index_cast %add3A_946 : i32 to index
        %get3A_949 = tpu.vector_load %arg7[%get3A_947, %get3A_948] {strides = array<i32>} : memref<160x128xf32, #tpu.memory_space<vmem>>, vector<1x16xf32>,
        %get3A_950 = vector.shape_cast %get3A_949 : vector<1x16xf32> to vector<16xf32>
        %add3A_951 = arith.addf %add3A_942, %get3A_950 : vector<16xf32>
        %add3A_952 = arith.constant 18 : i32
        %add3A_953 = arith.addi %mul3A_110, %add3A_952 : i32
        %add3A_954 = arith.constant 48 : i32
        %add3A_955 = arith.addi %mul3A_232, %add3A_954 : i32
        %get3A_956 = arith.index_cast %add3A_953 : i32 to index
        %get3A_957 = arith.index_cast %add3A_955 : i32 to index
        %get3A_958 = tpu.vector_load %arg7[%get3A_956, %get3A_957] {strides = array<i32>} : memref<160x128xf32, #tpu.memory_space<vmem>>, vector<1x16xf32>,
        %get3A_959 = vector.shape_cast %get3A_958 : vector<1x16xf32> to vector<16xf32>
        %add3A_960 = arith.addf %add3A_951, %get3A_959 : vector<16xf32>
        %add3A_961 = arith.constant 19 : i32
        %add3A_962 = arith.addi %mul3A_110, %add3A_961 : i32
        %add3A_963 = arith.constant 48 : i32
        %add3A_964 = arith.addi %mul3A_238, %add3A_963 : i32
        %get3A_965 = arith.index_cast %add3A_962 : i32 to index
        %get3A_966 = arith.index_cast %add3A_964 : i32 to index
        %get3A_967 = tpu.vector_load %arg7[%get3A_965, %get3A_966] {strides = array<i32>} : memref<160x128xf32, #tpu.memory_space<vmem>>, vector<1x16xf32>,
        %get3A_968 = vector.shape_cast %get3A_967 : vector<1x16xf32> to vector<16xf32>
        %add3A_969 = arith.addf %add3A_960, %get3A_968 : vector<16xf32>
        %mul3A_970 = arith.constant 8 : i32
        %mul3A_971 = arith.muli %add3A_64, %mul3A_970 : i32
        %add3A_972 = arith.addi %mul3A_971, %scan3A_107 : i32
        %swap3A_973 = arith.index_cast %add3A_972 : i32 to index
        %swap3A_974 = arith.constant 48 : index
        %swap3A_975 = tpu.vector_load %arg9[%swap3A_973, %swap3A_974] {strides = array<i32>} : memref<512x64xf32, #tpu.memory_space<vmem>>, vector<1x16xf32>,
        %swap3A_976 = vector.shape_cast %swap3A_975 : vector<1x16xf32> to vector<16xf32>
        %swap3A_977 = vector.shape_cast %add3A_969 : vector<16xf32> to vector<1x16xf32>
        tpu.vector_store %arg9[%swap3A_973, %swap3A_974], %swap3A_977 {strides = array<i32>} : memref<512x64xf32, #tpu.memory_space<vmem>>, vector<1x16xf32>,
        %scan3A_978 = arith.constant 0 : i32
        scf.yield %scan3A_978 : i32
      }
      %scan3A_76 = arith.constant 8 : i32
      %add3A_77 = arith.constant 2 : i32
      %add3A_78 = arith.addi %add3A_64, %add3A_77 : i32
      %lt3A_79 = arith.constant 64 : i32
      %lt3A_80 = arith.cmpi slt, %add3A_78, %lt3A_79 : i32
      %convert_element_type3A = arith.extui %lt3A_80 : i1 to i32
      %cond3A = arith.constant 0 : i32
      %cond3A_81 = arith.cmpi ne, %convert_element_type3A, %cond3A : i32
      scf.if %cond3A_81 {
        %mul3A_107 = arith.constant 160 : i32
        %mul3A_108 = arith.muli %add3A_78, %mul3A_107 : i32
        %dma_start3A_109 = tpu.memref_slice %arg6[%mul3A_108] : memref<10240xi32, #tpu.memory_space<vmem>> -> memref<160xi32, #tpu.memory_space<vmem>>
        %dma_start3A_110 = arith.constant 0 : i32
        %dma_start3A_111 = arith.constant 0 : i32
        %dma_start3A_112 = tpu.memref_slice %arg3[%dma_start3A_110, %dma_start3A_111] : memref<2000000x128xf32, #tpu.memory_space<hbm>> -> memref<2000000x128xf32, #tpu.memory_space<hbm>>
        tpu.enqueue_indirect_dma source(%dma_start3A_112 : memref<2000000x128xf32, #tpu.memory_space<hbm>>) target(%arg7 : memref<160x128xf32, #tpu.memory_space<vmem>>) offsets(%dma_start3A_109 : memref<160xi32, #tpu.memory_space<vmem>>) semaphore(%arg10 : memref<!tpu.dma_semaphore, #tpu.memory_space<semaphore_mem>>)
      } else {
      }
      %mul3A_82 = arith.constant 2 : i32
      %mul3A_83 = arith.muli %scan3A_59, %mul3A_82 : i32
      %add3A_84 = arith.constant 1 : i32
      %add3A_85 = arith.addi %mul3A_83, %add3A_84 : i32
      %mul3A_86 = arith.constant 160 : i32
      %mul3A_87 = arith.muli %add3A_85, %mul3A_86 : i32
      %dma_wait3A_88 = tpu.memref_slice %arg6[%mul3A_87] : memref<10240xi32, #tpu.memory_space<vmem>> -> memref<160xi32, #tpu.memory_space<vmem>>
      %dma_wait3A_89 = arith.constant 0 : i32
      %dma_wait3A_90 = arith.constant 0 : i32
      %dma_wait3A_91 = tpu.memref_slice %arg3[%dma_wait3A_89, %dma_wait3A_90] : memref<2000000x128xf32, #tpu.memory_space<hbm>> -> memref<2000000x128xf32, #tpu.memory_space<hbm>>
      tpu.wait_indirect_dma semaphore(%arg11 : memref<!tpu.dma_semaphore, #tpu.memory_space<semaphore_mem>>) src(%dma_wait3A_91 : memref<2000000x128xf32, #tpu.memory_space<hbm>>) dst(%arg8 : memref<160x128xf32, #tpu.memory_space<vmem>>)
      %scan3A_92 = arith.constant 0 : i32
      %scan3A_93 = arith.constant 0 : i32
      %scan3A_94 = arith.constant 8 : i32
      %scan3A_95 = arith.addi %scan3A_93, %scan3A_94 : i32
      %scan3A_96 = arith.constant 1 : i32
      %scan3A_97 = scf.for %scan3A_107 = %scan3A_93 to %scan3A_95 step %scan3A_96 iter_args(%scan3A_108 = %scan3A_92) -> (i32)  : i32 {
        %mul3A_109 = arith.constant 20 : i32
        %mul3A_110 = arith.muli %scan3A_107, %mul3A_109 : i32
        %mul3A_111 = arith.constant 160 : i32
        %mul3A_112 = arith.muli %add3A_85, %mul3A_111 : i32
        %add3A_113 = arith.addi %mul3A_112, %mul3A_110 : i32
        %get3A = arith.index_cast %add3A_113 : i32 to index
        %get3A_114 = tpu.vector_load %arg5[%get3A] {strides = array<i32>} : memref<10240xi32, #tpu.memory_space<vmem>>, vector<16xi32>,
        %get3A_115 = vector.shape_cast %get3A_114 : vector<16xi32> to vector<16xi32>
        %add3A_116 = arith.constant 4 : i32
        %add3A_117 = arith.addi %add3A_113, %add3A_116 : i32
        %get3A_118 = arith.index_cast %add3A_117 : i32 to index
        %get3A_119 = tpu.vector_load %arg5[%get3A_118] {strides = array<i32>} : memref<10240xi32, #tpu.memory_space<vmem>>, vector<16xi32>,
        %get3A_120 = vector.shape_cast %get3A_119 : vector<16xi32> to vector<16xi32>
        %slice3A = vector.extract_strided_slice %get3A_115 {offsets = [0], sizes = [1], strides = [1]} : vector<16xi32> to vector<1xi32>
        %squeeze3A = vector.extract %slice3A[0] : i32 from vector<1xi32>
        %rem3A_121 = arith.constant 2 : i32
        %rem3A_122 = arith.remsi %squeeze3A, %rem3A_121 : i32
        %mul3A_123 = arith.constant 64 : i32
        %mul3A_124 = arith.muli %rem3A_122, %mul3A_123 : i32
        %slice3A_125 = vector.extract_strided_slice %get3A_115 {offsets = [1], sizes = [1], strides = [1]} : vector<16xi32> to vector<1xi32>
        %squeeze3A_126 = vector.extract %slice3A_125[0] : i32 from vector<1xi32>
        %rem3A_127 = arith.constant 2 : i32
        %rem3A_128 = arith.remsi %squeeze3A_126, %rem3A_127 : i32
        %mul3A_129 = arith.constant 64 : i32
        %mul3A_130 = arith.muli %rem3A_128, %mul3A_129 : i32
        %slice3A_131 = vector.extract_strided_slice %get3A_115 {offsets = [2], sizes = [1], strides = [1]} : vector<16xi32> to vector<1xi32>
        %squeeze3A_132 = vector.extract %slice3A_131[0] : i32 from vector<1xi32>
        %rem3A_133 = arith.constant 2 : i32
        %rem3A_134 = arith.remsi %squeeze3A_132, %rem3A_133 : i32
        %mul3A_135 = arith.constant 64 : i32
        %mul3A_136 = arith.muli %rem3A_134, %mul3A_135 : i32
        %slice3A_137 = vector.extract_strided_slice %get3A_115 {offsets = [3], sizes = [1], strides = [1]} : vector<16xi32> to vector<1xi32>
        %squeeze3A_138 = vector.extract %slice3A_137[0] : i32 from vector<1xi32>
        %rem3A_139 = arith.constant 2 : i32
        %rem3A_140 = arith.remsi %squeeze3A_138, %rem3A_139 : i32
        %mul3A_141 = arith.constant 64 : i32
        %mul3A_142 = arith.muli %rem3A_140, %mul3A_141 : i32
        %slice3A_143 = vector.extract_strided_slice %get3A_115 {offsets = [4], sizes = [1], strides = [1]} : vector<16xi32> to vector<1xi32>
        %squeeze3A_144 = vector.extract %slice3A_143[0] : i32 from vector<1xi32>
        %rem3A_145 = arith.constant 2 : i32
        %rem3A_146 = arith.remsi %squeeze3A_144, %rem3A_145 : i32
        %mul3A_147 = arith.constant 64 : i32
        %mul3A_148 = arith.muli %rem3A_146, %mul3A_147 : i32
        %slice3A_149 = vector.extract_strided_slice %get3A_115 {offsets = [5], sizes = [1], strides = [1]} : vector<16xi32> to vector<1xi32>
        %squeeze3A_150 = vector.extract %slice3A_149[0] : i32 from vector<1xi32>
        %rem3A_151 = arith.constant 2 : i32
        %rem3A_152 = arith.remsi %squeeze3A_150, %rem3A_151 : i32
        %mul3A_153 = arith.constant 64 : i32
        %mul3A_154 = arith.muli %rem3A_152, %mul3A_153 : i32
        %slice3A_155 = vector.extract_strided_slice %get3A_115 {offsets = [6], sizes = [1], strides = [1]} : vector<16xi32> to vector<1xi32>
        %squeeze3A_156 = vector.extract %slice3A_155[0] : i32 from vector<1xi32>
        %rem3A_157 = arith.constant 2 : i32
        %rem3A_158 = arith.remsi %squeeze3A_156, %rem3A_157 : i32
        %mul3A_159 = arith.constant 64 : i32
        %mul3A_160 = arith.muli %rem3A_158, %mul3A_159 : i32
        %slice3A_161 = vector.extract_strided_slice %get3A_115 {offsets = [7], sizes = [1], strides = [1]} : vector<16xi32> to vector<1xi32>
        %squeeze3A_162 = vector.extract %slice3A_161[0] : i32 from vector<1xi32>
        %rem3A_163 = arith.constant 2 : i32
        %rem3A_164 = arith.remsi %squeeze3A_162, %rem3A_163 : i32
        %mul3A_165 = arith.constant 64 : i32
        %mul3A_166 = arith.muli %rem3A_164, %mul3A_165 : i32
        %slice3A_167 = vector.extract_strided_slice %get3A_115 {offsets = [8], sizes = [1], strides = [1]} : vector<16xi32> to vector<1xi32>
        %squeeze3A_168 = vector.extract %slice3A_167[0] : i32 from vector<1xi32>
        %rem3A_169 = arith.constant 2 : i32
        %rem3A_170 = arith.remsi %squeeze3A_168, %rem3A_169 : i32
        %mul3A_171 = arith.constant 64 : i32
        %mul3A_172 = arith.muli %rem3A_170, %mul3A_171 : i32
        %slice3A_173 = vector.extract_strided_slice %get3A_115 {offsets = [9], sizes = [1], strides = [1]} : vector<16xi32> to vector<1xi32>
        %squeeze3A_174 = vector.extract %slice3A_173[0] : i32 from vector<1xi32>
        %rem3A_175 = arith.constant 2 : i32
        %rem3A_176 = arith.remsi %squeeze3A_174, %rem3A_175 : i32
        %mul3A_177 = arith.constant 64 : i32
        %mul3A_178 = arith.muli %rem3A_176, %mul3A_177 : i32
        %slice3A_179 = vector.extract_strided_slice %get3A_115 {offsets = [10], sizes = [1], strides = [1]} : vector<16xi32> to vector<1xi32>
        %squeeze3A_180 = vector.extract %slice3A_179[0] : i32 from vector<1xi32>
        %rem3A_181 = arith.constant 2 : i32
        %rem3A_182 = arith.remsi %squeeze3A_180, %rem3A_181 : i32
        %mul3A_183 = arith.constant 64 : i32
        %mul3A_184 = arith.muli %rem3A_182, %mul3A_183 : i32
        %slice3A_185 = vector.extract_strided_slice %get3A_115 {offsets = [11], sizes = [1], strides = [1]} : vector<16xi32> to vector<1xi32>
        %squeeze3A_186 = vector.extract %slice3A_185[0] : i32 from vector<1xi32>
        %rem3A_187 = arith.constant 2 : i32
        %rem3A_188 = arith.remsi %squeeze3A_186, %rem3A_187 : i32
        %mul3A_189 = arith.constant 64 : i32
        %mul3A_190 = arith.muli %rem3A_188, %mul3A_189 : i32
        %slice3A_191 = vector.extract_strided_slice %get3A_115 {offsets = [12], sizes = [1], strides = [1]} : vector<16xi32> to vector<1xi32>
        %squeeze3A_192 = vector.extract %slice3A_191[0] : i32 from vector<1xi32>
        %rem3A_193 = arith.constant 2 : i32
        %rem3A_194 = arith.remsi %squeeze3A_192, %rem3A_193 : i32
        %mul3A_195 = arith.constant 64 : i32
        %mul3A_196 = arith.muli %rem3A_194, %mul3A_195 : i32
        %slice3A_197 = vector.extract_strided_slice %get3A_115 {offsets = [13], sizes = [1], strides = [1]} : vector<16xi32> to vector<1xi32>
        %squeeze3A_198 = vector.extract %slice3A_197[0] : i32 from vector<1xi32>
        %rem3A_199 = arith.constant 2 : i32
        %rem3A_200 = arith.remsi %squeeze3A_198, %rem3A_199 : i32
        %mul3A_201 = arith.constant 64 : i32
        %mul3A_202 = arith.muli %rem3A_200, %mul3A_201 : i32
        %slice3A_203 = vector.extract_strided_slice %get3A_115 {offsets = [14], sizes = [1], strides = [1]} : vector<16xi32> to vector<1xi32>
        %squeeze3A_204 = vector.extract %slice3A_203[0] : i32 from vector<1xi32>
        %rem3A_205 = arith.constant 2 : i32
        %rem3A_206 = arith.remsi %squeeze3A_204, %rem3A_205 : i32
        %mul3A_207 = arith.constant 64 : i32
        %mul3A_208 = arith.muli %rem3A_206, %mul3A_207 : i32
        %slice3A_209 = vector.extract_strided_slice %get3A_115 {offsets = [15], sizes = [1], strides = [1]} : vector<16xi32> to vector<1xi32>
        %squeeze3A_210 = vector.extract %slice3A_209[0] : i32 from vector<1xi32>
        %rem3A_211 = arith.constant 2 : i32
        %rem3A_212 = arith.remsi %squeeze3A_210, %rem3A_211 : i32
        %mul3A_213 = arith.constant 64 : i32
        %mul3A_214 = arith.muli %rem3A_212, %mul3A_213 : i32
        %slice3A_215 = vector.extract_strided_slice %get3A_120 {offsets = [12], sizes = [1], strides = [1]} : vector<16xi32> to vector<1xi32>
        %squeeze3A_216 = vector.extract %slice3A_215[0] : i32 from vector<1xi32>
        %rem3A_217 = arith.constant 2 : i32
        %rem3A_218 = arith.remsi %squeeze3A_216, %rem3A_217 : i32
        %mul3A_219 = arith.constant 64 : i32
        %mul3A_220 = arith.muli %rem3A_218, %mul3A_219 : i32
        %slice3A_221 = vector.extract_strided_slice %get3A_120 {offsets = [13], sizes = [1], strides = [1]} : vector<16xi32> to vector<1xi32>
        %squeeze3A_222 = vector.extract %slice3A_221[0] : i32 from vector<1xi32>
        %rem3A_223 = arith.constant 2 : i32
        %rem3A_224 = arith.remsi %squeeze3A_222, %rem3A_223 : i32
        %mul3A_225 = arith.constant 64 : i32
        %mul3A_226 = arith.muli %rem3A_224, %mul3A_225 : i32
        %slice3A_227 = vector.extract_strided_slice %get3A_120 {offsets = [14], sizes = [1], strides = [1]} : vector<16xi32> to vector<1xi32>
        %squeeze3A_228 = vector.extract %slice3A_227[0] : i32 from vector<1xi32>
        %rem3A_229 = arith.constant 2 : i32
        %rem3A_230 = arith.remsi %squeeze3A_228, %rem3A_229 : i32
        %mul3A_231 = arith.constant 64 : i32
        %mul3A_232 = arith.muli %rem3A_230, %mul3A_231 : i32
        %slice3A_233 = vector.extract_strided_slice %get3A_120 {offsets = [15], sizes = [1], strides = [1]} : vector<16xi32> to vector<1xi32>
        %squeeze3A_234 = vector.extract %slice3A_233[0] : i32 from vector<1xi32>
        %rem3A_235 = arith.constant 2 : i32
        %rem3A_236 = arith.remsi %squeeze3A_234, %rem3A_235 : i32
        %mul3A_237 = arith.constant 64 : i32
        %mul3A_238 = arith.muli %rem3A_236, %mul3A_237 : i32
        %add3A_239 = arith.constant 0 : i32
        %add3A_240 = arith.addi %mul3A_124, %add3A_239 : i32
        %get3A_241 = arith.index_cast %mul3A_110 : i32 to index
        %get3A_242 = arith.index_cast %add3A_240 : i32 to index
        %get3A_243 = tpu.vector_load %arg8[%get3A_241, %get3A_242] {strides = array<i32>} : memref<160x128xf32, #tpu.memory_space<vmem>>, vector<1x16xf32>,
        %get3A_244 = vector.shape_cast %get3A_243 : vector<1x16xf32> to vector<16xf32>
        %add3A_245 = arith.constant 1 : i32
        %add3A_246 = arith.addi %mul3A_110, %add3A_245 : i32
        %add3A_247 = arith.constant 0 : i32
        %add3A_248 = arith.addi %mul3A_130, %add3A_247 : i32
        %get3A_249 = arith.index_cast %add3A_246 : i32 to index
        %get3A_250 = arith.index_cast %add3A_248 : i32 to index
        %get3A_251 = tpu.vector_load %arg8[%get3A_249, %get3A_250] {strides = array<i32>} : memref<160x128xf32, #tpu.memory_space<vmem>>, vector<1x16xf32>,
        %get3A_252 = vector.shape_cast %get3A_251 : vector<1x16xf32> to vector<16xf32>
        %add3A_253 = arith.addf %get3A_244, %get3A_252 : vector<16xf32>
        %add3A_254 = arith.constant 2 : i32
        %add3A_255 = arith.addi %mul3A_110, %add3A_254 : i32
        %add3A_256 = arith.constant 0 : i32
        %add3A_257 = arith.addi %mul3A_136, %add3A_256 : i32
        %get3A_258 = arith.index_cast %add3A_255 : i32 to index
        %get3A_259 = arith.index_cast %add3A_257 : i32 to index
        %get3A_260 = tpu.vector_load %arg8[%get3A_258, %get3A_259] {strides = array<i32>} : memref<160x128xf32, #tpu.memory_space<vmem>>, vector<1x16xf32>,
        %get3A_261 = vector.shape_cast %get3A_260 : vector<1x16xf32> to vector<16xf32>
        %add3A_262 = arith.addf %add3A_253, %get3A_261 : vector<16xf32>
        %add3A_263 = arith.constant 3 : i32
        %add3A_264 = arith.addi %mul3A_110, %add3A_263 : i32
        %add3A_265 = arith.constant 0 : i32
        %add3A_266 = arith.addi %mul3A_142, %add3A_265 : i32
        %get3A_267 = arith.index_cast %add3A_264 : i32 to index
        %get3A_268 = arith.index_cast %add3A_266 : i32 to index
        %get3A_269 = tpu.vector_load %arg8[%get3A_267, %get3A_268] {strides = array<i32>} : memref<160x128xf32, #tpu.memory_space<vmem>>, vector<1x16xf32>,
        %get3A_270 = vector.shape_cast %get3A_269 : vector<1x16xf32> to vector<16xf32>
        %add3A_271 = arith.addf %add3A_262, %get3A_270 : vector<16xf32>
        %add3A_272 = arith.constant 4 : i32
        %add3A_273 = arith.addi %mul3A_110, %add3A_272 : i32
        %add3A_274 = arith.constant 0 : i32
        %add3A_275 = arith.addi %mul3A_148, %add3A_274 : i32
        %get3A_276 = arith.index_cast %add3A_273 : i32 to index
        %get3A_277 = arith.index_cast %add3A_275 : i32 to index
        %get3A_278 = tpu.vector_load %arg8[%get3A_276, %get3A_277] {strides = array<i32>} : memref<160x128xf32, #tpu.memory_space<vmem>>, vector<1x16xf32>,
        %get3A_279 = vector.shape_cast %get3A_278 : vector<1x16xf32> to vector<16xf32>
        %add3A_280 = arith.addf %add3A_271, %get3A_279 : vector<16xf32>
        %add3A_281 = arith.constant 5 : i32
        %add3A_282 = arith.addi %mul3A_110, %add3A_281 : i32
        %add3A_283 = arith.constant 0 : i32
        %add3A_284 = arith.addi %mul3A_154, %add3A_283 : i32
        %get3A_285 = arith.index_cast %add3A_282 : i32 to index
        %get3A_286 = arith.index_cast %add3A_284 : i32 to index
        %get3A_287 = tpu.vector_load %arg8[%get3A_285, %get3A_286] {strides = array<i32>} : memref<160x128xf32, #tpu.memory_space<vmem>>, vector<1x16xf32>,
        %get3A_288 = vector.shape_cast %get3A_287 : vector<1x16xf32> to vector<16xf32>
        %add3A_289 = arith.addf %add3A_280, %get3A_288 : vector<16xf32>
        %add3A_290 = arith.constant 6 : i32
        %add3A_291 = arith.addi %mul3A_110, %add3A_290 : i32
        %add3A_292 = arith.constant 0 : i32
        %add3A_293 = arith.addi %mul3A_160, %add3A_292 : i32
        %get3A_294 = arith.index_cast %add3A_291 : i32 to index
        %get3A_295 = arith.index_cast %add3A_293 : i32 to index
        %get3A_296 = tpu.vector_load %arg8[%get3A_294, %get3A_295] {strides = array<i32>} : memref<160x128xf32, #tpu.memory_space<vmem>>, vector<1x16xf32>,
        %get3A_297 = vector.shape_cast %get3A_296 : vector<1x16xf32> to vector<16xf32>
        %add3A_298 = arith.addf %add3A_289, %get3A_297 : vector<16xf32>
        %add3A_299 = arith.constant 7 : i32
        %add3A_300 = arith.addi %mul3A_110, %add3A_299 : i32
        %add3A_301 = arith.constant 0 : i32
        %add3A_302 = arith.addi %mul3A_166, %add3A_301 : i32
        %get3A_303 = arith.index_cast %add3A_300 : i32 to index
        %get3A_304 = arith.index_cast %add3A_302 : i32 to index
        %get3A_305 = tpu.vector_load %arg8[%get3A_303, %get3A_304] {strides = array<i32>} : memref<160x128xf32, #tpu.memory_space<vmem>>, vector<1x16xf32>,
        %get3A_306 = vector.shape_cast %get3A_305 : vector<1x16xf32> to vector<16xf32>
        %add3A_307 = arith.addf %add3A_298, %get3A_306 : vector<16xf32>
        %add3A_308 = arith.constant 8 : i32
        %add3A_309 = arith.addi %mul3A_110, %add3A_308 : i32
        %add3A_310 = arith.constant 0 : i32
        %add3A_311 = arith.addi %mul3A_172, %add3A_310 : i32
        %get3A_312 = arith.index_cast %add3A_309 : i32 to index
        %get3A_313 = arith.index_cast %add3A_311 : i32 to index
        %get3A_314 = tpu.vector_load %arg8[%get3A_312, %get3A_313] {strides = array<i32>} : memref<160x128xf32, #tpu.memory_space<vmem>>, vector<1x16xf32>,
        %get3A_315 = vector.shape_cast %get3A_314 : vector<1x16xf32> to vector<16xf32>
        %add3A_316 = arith.addf %add3A_307, %get3A_315 : vector<16xf32>
        %add3A_317 = arith.constant 9 : i32
        %add3A_318 = arith.addi %mul3A_110, %add3A_317 : i32
        %add3A_319 = arith.constant 0 : i32
        %add3A_320 = arith.addi %mul3A_178, %add3A_319 : i32
        %get3A_321 = arith.index_cast %add3A_318 : i32 to index
        %get3A_322 = arith.index_cast %add3A_320 : i32 to index
        %get3A_323 = tpu.vector_load %arg8[%get3A_321, %get3A_322] {strides = array<i32>} : memref<160x128xf32, #tpu.memory_space<vmem>>, vector<1x16xf32>,
        %get3A_324 = vector.shape_cast %get3A_323 : vector<1x16xf32> to vector<16xf32>
        %add3A_325 = arith.addf %add3A_316, %get3A_324 : vector<16xf32>
        %add3A_326 = arith.constant 10 : i32
        %add3A_327 = arith.addi %mul3A_110, %add3A_326 : i32
        %add3A_328 = arith.constant 0 : i32
        %add3A_329 = arith.addi %mul3A_184, %add3A_328 : i32
        %get3A_330 = arith.index_cast %add3A_327 : i32 to index
        %get3A_331 = arith.index_cast %add3A_329 : i32 to index
        %get3A_332 = tpu.vector_load %arg8[%get3A_330, %get3A_331] {strides = array<i32>} : memref<160x128xf32, #tpu.memory_space<vmem>>, vector<1x16xf32>,
        %get3A_333 = vector.shape_cast %get3A_332 : vector<1x16xf32> to vector<16xf32>
        %add3A_334 = arith.addf %add3A_325, %get3A_333 : vector<16xf32>
        %add3A_335 = arith.constant 11 : i32
        %add3A_336 = arith.addi %mul3A_110, %add3A_335 : i32
        %add3A_337 = arith.constant 0 : i32
        %add3A_338 = arith.addi %mul3A_190, %add3A_337 : i32
        %get3A_339 = arith.index_cast %add3A_336 : i32 to index
        %get3A_340 = arith.index_cast %add3A_338 : i32 to index
        %get3A_341 = tpu.vector_load %arg8[%get3A_339, %get3A_340] {strides = array<i32>} : memref<160x128xf32, #tpu.memory_space<vmem>>, vector<1x16xf32>,
        %get3A_342 = vector.shape_cast %get3A_341 : vector<1x16xf32> to vector<16xf32>
        %add3A_343 = arith.addf %add3A_334, %get3A_342 : vector<16xf32>
        %add3A_344 = arith.constant 12 : i32
        %add3A_345 = arith.addi %mul3A_110, %add3A_344 : i32
        %add3A_346 = arith.constant 0 : i32
        %add3A_347 = arith.addi %mul3A_196, %add3A_346 : i32
        %get3A_348 = arith.index_cast %add3A_345 : i32 to index
        %get3A_349 = arith.index_cast %add3A_347 : i32 to index
        %get3A_350 = tpu.vector_load %arg8[%get3A_348, %get3A_349] {strides = array<i32>} : memref<160x128xf32, #tpu.memory_space<vmem>>, vector<1x16xf32>,
        %get3A_351 = vector.shape_cast %get3A_350 : vector<1x16xf32> to vector<16xf32>
        %add3A_352 = arith.addf %add3A_343, %get3A_351 : vector<16xf32>
        %add3A_353 = arith.constant 13 : i32
        %add3A_354 = arith.addi %mul3A_110, %add3A_353 : i32
        %add3A_355 = arith.constant 0 : i32
        %add3A_356 = arith.addi %mul3A_202, %add3A_355 : i32
        %get3A_357 = arith.index_cast %add3A_354 : i32 to index
        %get3A_358 = arith.index_cast %add3A_356 : i32 to index
        %get3A_359 = tpu.vector_load %arg8[%get3A_357, %get3A_358] {strides = array<i32>} : memref<160x128xf32, #tpu.memory_space<vmem>>, vector<1x16xf32>,
        %get3A_360 = vector.shape_cast %get3A_359 : vector<1x16xf32> to vector<16xf32>
        %add3A_361 = arith.addf %add3A_352, %get3A_360 : vector<16xf32>
        %add3A_362 = arith.constant 14 : i32
        %add3A_363 = arith.addi %mul3A_110, %add3A_362 : i32
        %add3A_364 = arith.constant 0 : i32
        %add3A_365 = arith.addi %mul3A_208, %add3A_364 : i32
        %get3A_366 = arith.index_cast %add3A_363 : i32 to index
        %get3A_367 = arith.index_cast %add3A_365 : i32 to index
        %get3A_368 = tpu.vector_load %arg8[%get3A_366, %get3A_367] {strides = array<i32>} : memref<160x128xf32, #tpu.memory_space<vmem>>, vector<1x16xf32>,
        %get3A_369 = vector.shape_cast %get3A_368 : vector<1x16xf32> to vector<16xf32>
        %add3A_370 = arith.addf %add3A_361, %get3A_369 : vector<16xf32>
        %add3A_371 = arith.constant 15 : i32
        %add3A_372 = arith.addi %mul3A_110, %add3A_371 : i32
        %add3A_373 = arith.constant 0 : i32
        %add3A_374 = arith.addi %mul3A_214, %add3A_373 : i32
        %get3A_375 = arith.index_cast %add3A_372 : i32 to index
        %get3A_376 = arith.index_cast %add3A_374 : i32 to index
        %get3A_377 = tpu.vector_load %arg8[%get3A_375, %get3A_376] {strides = array<i32>} : memref<160x128xf32, #tpu.memory_space<vmem>>, vector<1x16xf32>,
        %get3A_378 = vector.shape_cast %get3A_377 : vector<1x16xf32> to vector<16xf32>
        %add3A_379 = arith.addf %add3A_370, %get3A_378 : vector<16xf32>
        %add3A_380 = arith.constant 16 : i32
        %add3A_381 = arith.addi %mul3A_110, %add3A_380 : i32
        %add3A_382 = arith.constant 0 : i32
        %add3A_383 = arith.addi %mul3A_220, %add3A_382 : i32
        %get3A_384 = arith.index_cast %add3A_381 : i32 to index
        %get3A_385 = arith.index_cast %add3A_383 : i32 to index
        %get3A_386 = tpu.vector_load %arg8[%get3A_384, %get3A_385] {strides = array<i32>} : memref<160x128xf32, #tpu.memory_space<vmem>>, vector<1x16xf32>,
        %get3A_387 = vector.shape_cast %get3A_386 : vector<1x16xf32> to vector<16xf32>
        %add3A_388 = arith.addf %add3A_379, %get3A_387 : vector<16xf32>
        %add3A_389 = arith.constant 17 : i32
        %add3A_390 = arith.addi %mul3A_110, %add3A_389 : i32
        %add3A_391 = arith.constant 0 : i32
        %add3A_392 = arith.addi %mul3A_226, %add3A_391 : i32
        %get3A_393 = arith.index_cast %add3A_390 : i32 to index
        %get3A_394 = arith.index_cast %add3A_392 : i32 to index
        %get3A_395 = tpu.vector_load %arg8[%get3A_393, %get3A_394] {strides = array<i32>} : memref<160x128xf32, #tpu.memory_space<vmem>>, vector<1x16xf32>,
        %get3A_396 = vector.shape_cast %get3A_395 : vector<1x16xf32> to vector<16xf32>
        %add3A_397 = arith.addf %add3A_388, %get3A_396 : vector<16xf32>
        %add3A_398 = arith.constant 18 : i32
        %add3A_399 = arith.addi %mul3A_110, %add3A_398 : i32
        %add3A_400 = arith.constant 0 : i32
        %add3A_401 = arith.addi %mul3A_232, %add3A_400 : i32
        %get3A_402 = arith.index_cast %add3A_399 : i32 to index
        %get3A_403 = arith.index_cast %add3A_401 : i32 to index
        %get3A_404 = tpu.vector_load %arg8[%get3A_402, %get3A_403] {strides = array<i32>} : memref<160x128xf32, #tpu.memory_space<vmem>>, vector<1x16xf32>,
        %get3A_405 = vector.shape_cast %get3A_404 : vector<1x16xf32> to vector<16xf32>
        %add3A_406 = arith.addf %add3A_397, %get3A_405 : vector<16xf32>
        %add3A_407 = arith.constant 19 : i32
        %add3A_408 = arith.addi %mul3A_110, %add3A_407 : i32
        %add3A_409 = arith.constant 0 : i32
        %add3A_410 = arith.addi %mul3A_238, %add3A_409 : i32
        %get3A_411 = arith.index_cast %add3A_408 : i32 to index
        %get3A_412 = arith.index_cast %add3A_410 : i32 to index
        %get3A_413 = tpu.vector_load %arg8[%get3A_411, %get3A_412] {strides = array<i32>} : memref<160x128xf32, #tpu.memory_space<vmem>>, vector<1x16xf32>,
        %get3A_414 = vector.shape_cast %get3A_413 : vector<1x16xf32> to vector<16xf32>
        %add3A_415 = arith.addf %add3A_406, %get3A_414 : vector<16xf32>
        %mul3A_416 = arith.constant 8 : i32
        %mul3A_417 = arith.muli %add3A_85, %mul3A_416 : i32
        %add3A_418 = arith.addi %mul3A_417, %scan3A_107 : i32
        %swap3A = arith.index_cast %add3A_418 : i32 to index
        %swap3A_419 = arith.constant 0 : index
        %swap3A_420 = tpu.vector_load %arg9[%swap3A, %swap3A_419] {strides = array<i32>} : memref<512x64xf32, #tpu.memory_space<vmem>>, vector<1x16xf32>,
        %swap3A_421 = vector.shape_cast %swap3A_420 : vector<1x16xf32> to vector<16xf32>
        %swap3A_422 = vector.shape_cast %add3A_415 : vector<16xf32> to vector<1x16xf32>
        tpu.vector_store %arg9[%swap3A, %swap3A_419], %swap3A_422 {strides = array<i32>} : memref<512x64xf32, #tpu.memory_space<vmem>>, vector<1x16xf32>,
        %add3A_423 = arith.constant 16 : i32
        %add3A_424 = arith.addi %mul3A_124, %add3A_423 : i32
        %get3A_425 = arith.index_cast %mul3A_110 : i32 to index
        %get3A_426 = arith.index_cast %add3A_424 : i32 to index
        %get3A_427 = tpu.vector_load %arg8[%get3A_425, %get3A_426] {strides = array<i32>} : memref<160x128xf32, #tpu.memory_space<vmem>>, vector<1x16xf32>,
        %get3A_428 = vector.shape_cast %get3A_427 : vector<1x16xf32> to vector<16xf32>
        %add3A_429 = arith.constant 1 : i32
        %add3A_430 = arith.addi %mul3A_110, %add3A_429 : i32
        %add3A_431 = arith.constant 16 : i32
        %add3A_432 = arith.addi %mul3A_130, %add3A_431 : i32
        %get3A_433 = arith.index_cast %add3A_430 : i32 to index
        %get3A_434 = arith.index_cast %add3A_432 : i32 to index
        %get3A_435 = tpu.vector_load %arg8[%get3A_433, %get3A_434] {strides = array<i32>} : memref<160x128xf32, #tpu.memory_space<vmem>>, vector<1x16xf32>,
        %get3A_436 = vector.shape_cast %get3A_435 : vector<1x16xf32> to vector<16xf32>
        %add3A_437 = arith.addf %get3A_428, %get3A_436 : vector<16xf32>
        %add3A_438 = arith.constant 2 : i32
        %add3A_439 = arith.addi %mul3A_110, %add3A_438 : i32
        %add3A_440 = arith.constant 16 : i32
        %add3A_441 = arith.addi %mul3A_136, %add3A_440 : i32
        %get3A_442 = arith.index_cast %add3A_439 : i32 to index
        %get3A_443 = arith.index_cast %add3A_441 : i32 to index
        %get3A_444 = tpu.vector_load %arg8[%get3A_442, %get3A_443] {strides = array<i32>} : memref<160x128xf32, #tpu.memory_space<vmem>>, vector<1x16xf32>,
        %get3A_445 = vector.shape_cast %get3A_444 : vector<1x16xf32> to vector<16xf32>
        %add3A_446 = arith.addf %add3A_437, %get3A_445 : vector<16xf32>
        %add3A_447 = arith.constant 3 : i32
        %add3A_448 = arith.addi %mul3A_110, %add3A_447 : i32
        %add3A_449 = arith.constant 16 : i32
        %add3A_450 = arith.addi %mul3A_142, %add3A_449 : i32
        %get3A_451 = arith.index_cast %add3A_448 : i32 to index
        %get3A_452 = arith.index_cast %add3A_450 : i32 to index
        %get3A_453 = tpu.vector_load %arg8[%get3A_451, %get3A_452] {strides = array<i32>} : memref<160x128xf32, #tpu.memory_space<vmem>>, vector<1x16xf32>,
        %get3A_454 = vector.shape_cast %get3A_453 : vector<1x16xf32> to vector<16xf32>
        %add3A_455 = arith.addf %add3A_446, %get3A_454 : vector<16xf32>
        %add3A_456 = arith.constant 4 : i32
        %add3A_457 = arith.addi %mul3A_110, %add3A_456 : i32
        %add3A_458 = arith.constant 16 : i32
        %add3A_459 = arith.addi %mul3A_148, %add3A_458 : i32
        %get3A_460 = arith.index_cast %add3A_457 : i32 to index
        %get3A_461 = arith.index_cast %add3A_459 : i32 to index
        %get3A_462 = tpu.vector_load %arg8[%get3A_460, %get3A_461] {strides = array<i32>} : memref<160x128xf32, #tpu.memory_space<vmem>>, vector<1x16xf32>,
        %get3A_463 = vector.shape_cast %get3A_462 : vector<1x16xf32> to vector<16xf32>
        %add3A_464 = arith.addf %add3A_455, %get3A_463 : vector<16xf32>
        %add3A_465 = arith.constant 5 : i32
        %add3A_466 = arith.addi %mul3A_110, %add3A_465 : i32
        %add3A_467 = arith.constant 16 : i32
        %add3A_468 = arith.addi %mul3A_154, %add3A_467 : i32
        %get3A_469 = arith.index_cast %add3A_466 : i32 to index
        %get3A_470 = arith.index_cast %add3A_468 : i32 to index
        %get3A_471 = tpu.vector_load %arg8[%get3A_469, %get3A_470] {strides = array<i32>} : memref<160x128xf32, #tpu.memory_space<vmem>>, vector<1x16xf32>,
        %get3A_472 = vector.shape_cast %get3A_471 : vector<1x16xf32> to vector<16xf32>
        %add3A_473 = arith.addf %add3A_464, %get3A_472 : vector<16xf32>
        %add3A_474 = arith.constant 6 : i32
        %add3A_475 = arith.addi %mul3A_110, %add3A_474 : i32
        %add3A_476 = arith.constant 16 : i32
        %add3A_477 = arith.addi %mul3A_160, %add3A_476 : i32
        %get3A_478 = arith.index_cast %add3A_475 : i32 to index
        %get3A_479 = arith.index_cast %add3A_477 : i32 to index
        %get3A_480 = tpu.vector_load %arg8[%get3A_478, %get3A_479] {strides = array<i32>} : memref<160x128xf32, #tpu.memory_space<vmem>>, vector<1x16xf32>,
        %get3A_481 = vector.shape_cast %get3A_480 : vector<1x16xf32> to vector<16xf32>
        %add3A_482 = arith.addf %add3A_473, %get3A_481 : vector<16xf32>
        %add3A_483 = arith.constant 7 : i32
        %add3A_484 = arith.addi %mul3A_110, %add3A_483 : i32
        %add3A_485 = arith.constant 16 : i32
        %add3A_486 = arith.addi %mul3A_166, %add3A_485 : i32
        %get3A_487 = arith.index_cast %add3A_484 : i32 to index
        %get3A_488 = arith.index_cast %add3A_486 : i32 to index
        %get3A_489 = tpu.vector_load %arg8[%get3A_487, %get3A_488] {strides = array<i32>} : memref<160x128xf32, #tpu.memory_space<vmem>>, vector<1x16xf32>,
        %get3A_490 = vector.shape_cast %get3A_489 : vector<1x16xf32> to vector<16xf32>
        %add3A_491 = arith.addf %add3A_482, %get3A_490 : vector<16xf32>
        %add3A_492 = arith.constant 8 : i32
        %add3A_493 = arith.addi %mul3A_110, %add3A_492 : i32
        %add3A_494 = arith.constant 16 : i32
        %add3A_495 = arith.addi %mul3A_172, %add3A_494 : i32
        %get3A_496 = arith.index_cast %add3A_493 : i32 to index
        %get3A_497 = arith.index_cast %add3A_495 : i32 to index
        %get3A_498 = tpu.vector_load %arg8[%get3A_496, %get3A_497] {strides = array<i32>} : memref<160x128xf32, #tpu.memory_space<vmem>>, vector<1x16xf32>,
        %get3A_499 = vector.shape_cast %get3A_498 : vector<1x16xf32> to vector<16xf32>
        %add3A_500 = arith.addf %add3A_491, %get3A_499 : vector<16xf32>
        %add3A_501 = arith.constant 9 : i32
        %add3A_502 = arith.addi %mul3A_110, %add3A_501 : i32
        %add3A_503 = arith.constant 16 : i32
        %add3A_504 = arith.addi %mul3A_178, %add3A_503 : i32
        %get3A_505 = arith.index_cast %add3A_502 : i32 to index
        %get3A_506 = arith.index_cast %add3A_504 : i32 to index
        %get3A_507 = tpu.vector_load %arg8[%get3A_505, %get3A_506] {strides = array<i32>} : memref<160x128xf32, #tpu.memory_space<vmem>>, vector<1x16xf32>,
        %get3A_508 = vector.shape_cast %get3A_507 : vector<1x16xf32> to vector<16xf32>
        %add3A_509 = arith.addf %add3A_500, %get3A_508 : vector<16xf32>
        %add3A_510 = arith.constant 10 : i32
        %add3A_511 = arith.addi %mul3A_110, %add3A_510 : i32
        %add3A_512 = arith.constant 16 : i32
        %add3A_513 = arith.addi %mul3A_184, %add3A_512 : i32
        %get3A_514 = arith.index_cast %add3A_511 : i32 to index
        %get3A_515 = arith.index_cast %add3A_513 : i32 to index
        %get3A_516 = tpu.vector_load %arg8[%get3A_514, %get3A_515] {strides = array<i32>} : memref<160x128xf32, #tpu.memory_space<vmem>>, vector<1x16xf32>,
        %get3A_517 = vector.shape_cast %get3A_516 : vector<1x16xf32> to vector<16xf32>
        %add3A_518 = arith.addf %add3A_509, %get3A_517 : vector<16xf32>
        %add3A_519 = arith.constant 11 : i32
        %add3A_520 = arith.addi %mul3A_110, %add3A_519 : i32
        %add3A_521 = arith.constant 16 : i32
        %add3A_522 = arith.addi %mul3A_190, %add3A_521 : i32
        %get3A_523 = arith.index_cast %add3A_520 : i32 to index
        %get3A_524 = arith.index_cast %add3A_522 : i32 to index
        %get3A_525 = tpu.vector_load %arg8[%get3A_523, %get3A_524] {strides = array<i32>} : memref<160x128xf32, #tpu.memory_space<vmem>>, vector<1x16xf32>,
        %get3A_526 = vector.shape_cast %get3A_525 : vector<1x16xf32> to vector<16xf32>
        %add3A_527 = arith.addf %add3A_518, %get3A_526 : vector<16xf32>
        %add3A_528 = arith.constant 12 : i32
        %add3A_529 = arith.addi %mul3A_110, %add3A_528 : i32
        %add3A_530 = arith.constant 16 : i32
        %add3A_531 = arith.addi %mul3A_196, %add3A_530 : i32
        %get3A_532 = arith.index_cast %add3A_529 : i32 to index
        %get3A_533 = arith.index_cast %add3A_531 : i32 to index
        %get3A_534 = tpu.vector_load %arg8[%get3A_532, %get3A_533] {strides = array<i32>} : memref<160x128xf32, #tpu.memory_space<vmem>>, vector<1x16xf32>,
        %get3A_535 = vector.shape_cast %get3A_534 : vector<1x16xf32> to vector<16xf32>
        %add3A_536 = arith.addf %add3A_527, %get3A_535 : vector<16xf32>
        %add3A_537 = arith.constant 13 : i32
        %add3A_538 = arith.addi %mul3A_110, %add3A_537 : i32
        %add3A_539 = arith.constant 16 : i32
        %add3A_540 = arith.addi %mul3A_202, %add3A_539 : i32
        %get3A_541 = arith.index_cast %add3A_538 : i32 to index
        %get3A_542 = arith.index_cast %add3A_540 : i32 to index
        %get3A_543 = tpu.vector_load %arg8[%get3A_541, %get3A_542] {strides = array<i32>} : memref<160x128xf32, #tpu.memory_space<vmem>>, vector<1x16xf32>,
        %get3A_544 = vector.shape_cast %get3A_543 : vector<1x16xf32> to vector<16xf32>
        %add3A_545 = arith.addf %add3A_536, %get3A_544 : vector<16xf32>
        %add3A_546 = arith.constant 14 : i32
        %add3A_547 = arith.addi %mul3A_110, %add3A_546 : i32
        %add3A_548 = arith.constant 16 : i32
        %add3A_549 = arith.addi %mul3A_208, %add3A_548 : i32
        %get3A_550 = arith.index_cast %add3A_547 : i32 to index
        %get3A_551 = arith.index_cast %add3A_549 : i32 to index
        %get3A_552 = tpu.vector_load %arg8[%get3A_550, %get3A_551] {strides = array<i32>} : memref<160x128xf32, #tpu.memory_space<vmem>>, vector<1x16xf32>,
        %get3A_553 = vector.shape_cast %get3A_552 : vector<1x16xf32> to vector<16xf32>
        %add3A_554 = arith.addf %add3A_545, %get3A_553 : vector<16xf32>
        %add3A_555 = arith.constant 15 : i32
        %add3A_556 = arith.addi %mul3A_110, %add3A_555 : i32
        %add3A_557 = arith.constant 16 : i32
        %add3A_558 = arith.addi %mul3A_214, %add3A_557 : i32
        %get3A_559 = arith.index_cast %add3A_556 : i32 to index
        %get3A_560 = arith.index_cast %add3A_558 : i32 to index
        %get3A_561 = tpu.vector_load %arg8[%get3A_559, %get3A_560] {strides = array<i32>} : memref<160x128xf32, #tpu.memory_space<vmem>>, vector<1x16xf32>,
        %get3A_562 = vector.shape_cast %get3A_561 : vector<1x16xf32> to vector<16xf32>
        %add3A_563 = arith.addf %add3A_554, %get3A_562 : vector<16xf32>
        %add3A_564 = arith.constant 16 : i32
        %add3A_565 = arith.addi %mul3A_110, %add3A_564 : i32
        %add3A_566 = arith.constant 16 : i32
        %add3A_567 = arith.addi %mul3A_220, %add3A_566 : i32
        %get3A_568 = arith.index_cast %add3A_565 : i32 to index
        %get3A_569 = arith.index_cast %add3A_567 : i32 to index
        %get3A_570 = tpu.vector_load %arg8[%get3A_568, %get3A_569] {strides = array<i32>} : memref<160x128xf32, #tpu.memory_space<vmem>>, vector<1x16xf32>,
        %get3A_571 = vector.shape_cast %get3A_570 : vector<1x16xf32> to vector<16xf32>
        %add3A_572 = arith.addf %add3A_563, %get3A_571 : vector<16xf32>
        %add3A_573 = arith.constant 17 : i32
        %add3A_574 = arith.addi %mul3A_110, %add3A_573 : i32
        %add3A_575 = arith.constant 16 : i32
        %add3A_576 = arith.addi %mul3A_226, %add3A_575 : i32
        %get3A_577 = arith.index_cast %add3A_574 : i32 to index
        %get3A_578 = arith.index_cast %add3A_576 : i32 to index
        %get3A_579 = tpu.vector_load %arg8[%get3A_577, %get3A_578] {strides = array<i32>} : memref<160x128xf32, #tpu.memory_space<vmem>>, vector<1x16xf32>,
        %get3A_580 = vector.shape_cast %get3A_579 : vector<1x16xf32> to vector<16xf32>
        %add3A_581 = arith.addf %add3A_572, %get3A_580 : vector<16xf32>
        %add3A_582 = arith.constant 18 : i32
        %add3A_583 = arith.addi %mul3A_110, %add3A_582 : i32
        %add3A_584 = arith.constant 16 : i32
        %add3A_585 = arith.addi %mul3A_232, %add3A_584 : i32
        %get3A_586 = arith.index_cast %add3A_583 : i32 to index
        %get3A_587 = arith.index_cast %add3A_585 : i32 to index
        %get3A_588 = tpu.vector_load %arg8[%get3A_586, %get3A_587] {strides = array<i32>} : memref<160x128xf32, #tpu.memory_space<vmem>>, vector<1x16xf32>,
        %get3A_589 = vector.shape_cast %get3A_588 : vector<1x16xf32> to vector<16xf32>
        %add3A_590 = arith.addf %add3A_581, %get3A_589 : vector<16xf32>
        %add3A_591 = arith.constant 19 : i32
        %add3A_592 = arith.addi %mul3A_110, %add3A_591 : i32
        %add3A_593 = arith.constant 16 : i32
        %add3A_594 = arith.addi %mul3A_238, %add3A_593 : i32
        %get3A_595 = arith.index_cast %add3A_592 : i32 to index
        %get3A_596 = arith.index_cast %add3A_594 : i32 to index
        %get3A_597 = tpu.vector_load %arg8[%get3A_595, %get3A_596] {strides = array<i32>} : memref<160x128xf32, #tpu.memory_space<vmem>>, vector<1x16xf32>,
        %get3A_598 = vector.shape_cast %get3A_597 : vector<1x16xf32> to vector<16xf32>
        %add3A_599 = arith.addf %add3A_590, %get3A_598 : vector<16xf32>
        %mul3A_600 = arith.constant 8 : i32
        %mul3A_601 = arith.muli %add3A_85, %mul3A_600 : i32
        %add3A_602 = arith.addi %mul3A_601, %scan3A_107 : i32
        %swap3A_603 = arith.index_cast %add3A_602 : i32 to index
        %swap3A_604 = arith.constant 16 : index
        %swap3A_605 = tpu.vector_load %arg9[%swap3A_603, %swap3A_604] {strides = array<i32>} : memref<512x64xf32, #tpu.memory_space<vmem>>, vector<1x16xf32>,
        %swap3A_606 = vector.shape_cast %swap3A_605 : vector<1x16xf32> to vector<16xf32>
        %swap3A_607 = vector.shape_cast %add3A_599 : vector<16xf32> to vector<1x16xf32>
        tpu.vector_store %arg9[%swap3A_603, %swap3A_604], %swap3A_607 {strides = array<i32>} : memref<512x64xf32, #tpu.memory_space<vmem>>, vector<1x16xf32>,
        %add3A_608 = arith.constant 32 : i32
        %add3A_609 = arith.addi %mul3A_124, %add3A_608 : i32
        %get3A_610 = arith.index_cast %mul3A_110 : i32 to index
        %get3A_611 = arith.index_cast %add3A_609 : i32 to index
        %get3A_612 = tpu.vector_load %arg8[%get3A_610, %get3A_611] {strides = array<i32>} : memref<160x128xf32, #tpu.memory_space<vmem>>, vector<1x16xf32>,
        %get3A_613 = vector.shape_cast %get3A_612 : vector<1x16xf32> to vector<16xf32>
        %add3A_614 = arith.constant 1 : i32
        %add3A_615 = arith.addi %mul3A_110, %add3A_614 : i32
        %add3A_616 = arith.constant 32 : i32
        %add3A_617 = arith.addi %mul3A_130, %add3A_616 : i32
        %get3A_618 = arith.index_cast %add3A_615 : i32 to index
        %get3A_619 = arith.index_cast %add3A_617 : i32 to index
        %get3A_620 = tpu.vector_load %arg8[%get3A_618, %get3A_619] {strides = array<i32>} : memref<160x128xf32, #tpu.memory_space<vmem>>, vector<1x16xf32>,
        %get3A_621 = vector.shape_cast %get3A_620 : vector<1x16xf32> to vector<16xf32>
        %add3A_622 = arith.addf %get3A_613, %get3A_621 : vector<16xf32>
        %add3A_623 = arith.constant 2 : i32
        %add3A_624 = arith.addi %mul3A_110, %add3A_623 : i32
        %add3A_625 = arith.constant 32 : i32
        %add3A_626 = arith.addi %mul3A_136, %add3A_625 : i32
        %get3A_627 = arith.index_cast %add3A_624 : i32 to index
        %get3A_628 = arith.index_cast %add3A_626 : i32 to index
        %get3A_629 = tpu.vector_load %arg8[%get3A_627, %get3A_628] {strides = array<i32>} : memref<160x128xf32, #tpu.memory_space<vmem>>, vector<1x16xf32>,
        %get3A_630 = vector.shape_cast %get3A_629 : vector<1x16xf32> to vector<16xf32>
        %add3A_631 = arith.addf %add3A_622, %get3A_630 : vector<16xf32>
        %add3A_632 = arith.constant 3 : i32
        %add3A_633 = arith.addi %mul3A_110, %add3A_632 : i32
        %add3A_634 = arith.constant 32 : i32
        %add3A_635 = arith.addi %mul3A_142, %add3A_634 : i32
        %get3A_636 = arith.index_cast %add3A_633 : i32 to index
        %get3A_637 = arith.index_cast %add3A_635 : i32 to index
        %get3A_638 = tpu.vector_load %arg8[%get3A_636, %get3A_637] {strides = array<i32>} : memref<160x128xf32, #tpu.memory_space<vmem>>, vector<1x16xf32>,
        %get3A_639 = vector.shape_cast %get3A_638 : vector<1x16xf32> to vector<16xf32>
        %add3A_640 = arith.addf %add3A_631, %get3A_639 : vector<16xf32>
        %add3A_641 = arith.constant 4 : i32
        %add3A_642 = arith.addi %mul3A_110, %add3A_641 : i32
        %add3A_643 = arith.constant 32 : i32
        %add3A_644 = arith.addi %mul3A_148, %add3A_643 : i32
        %get3A_645 = arith.index_cast %add3A_642 : i32 to index
        %get3A_646 = arith.index_cast %add3A_644 : i32 to index
        %get3A_647 = tpu.vector_load %arg8[%get3A_645, %get3A_646] {strides = array<i32>} : memref<160x128xf32, #tpu.memory_space<vmem>>, vector<1x16xf32>,
        %get3A_648 = vector.shape_cast %get3A_647 : vector<1x16xf32> to vector<16xf32>
        %add3A_649 = arith.addf %add3A_640, %get3A_648 : vector<16xf32>
        %add3A_650 = arith.constant 5 : i32
        %add3A_651 = arith.addi %mul3A_110, %add3A_650 : i32
        %add3A_652 = arith.constant 32 : i32
        %add3A_653 = arith.addi %mul3A_154, %add3A_652 : i32
        %get3A_654 = arith.index_cast %add3A_651 : i32 to index
        %get3A_655 = arith.index_cast %add3A_653 : i32 to index
        %get3A_656 = tpu.vector_load %arg8[%get3A_654, %get3A_655] {strides = array<i32>} : memref<160x128xf32, #tpu.memory_space<vmem>>, vector<1x16xf32>,
        %get3A_657 = vector.shape_cast %get3A_656 : vector<1x16xf32> to vector<16xf32>
        %add3A_658 = arith.addf %add3A_649, %get3A_657 : vector<16xf32>
        %add3A_659 = arith.constant 6 : i32
        %add3A_660 = arith.addi %mul3A_110, %add3A_659 : i32
        %add3A_661 = arith.constant 32 : i32
        %add3A_662 = arith.addi %mul3A_160, %add3A_661 : i32
        %get3A_663 = arith.index_cast %add3A_660 : i32 to index
        %get3A_664 = arith.index_cast %add3A_662 : i32 to index
        %get3A_665 = tpu.vector_load %arg8[%get3A_663, %get3A_664] {strides = array<i32>} : memref<160x128xf32, #tpu.memory_space<vmem>>, vector<1x16xf32>,
        %get3A_666 = vector.shape_cast %get3A_665 : vector<1x16xf32> to vector<16xf32>
        %add3A_667 = arith.addf %add3A_658, %get3A_666 : vector<16xf32>
        %add3A_668 = arith.constant 7 : i32
        %add3A_669 = arith.addi %mul3A_110, %add3A_668 : i32
        %add3A_670 = arith.constant 32 : i32
        %add3A_671 = arith.addi %mul3A_166, %add3A_670 : i32
        %get3A_672 = arith.index_cast %add3A_669 : i32 to index
        %get3A_673 = arith.index_cast %add3A_671 : i32 to index
        %get3A_674 = tpu.vector_load %arg8[%get3A_672, %get3A_673] {strides = array<i32>} : memref<160x128xf32, #tpu.memory_space<vmem>>, vector<1x16xf32>,
        %get3A_675 = vector.shape_cast %get3A_674 : vector<1x16xf32> to vector<16xf32>
        %add3A_676 = arith.addf %add3A_667, %get3A_675 : vector<16xf32>
        %add3A_677 = arith.constant 8 : i32
        %add3A_678 = arith.addi %mul3A_110, %add3A_677 : i32
        %add3A_679 = arith.constant 32 : i32
        %add3A_680 = arith.addi %mul3A_172, %add3A_679 : i32
        %get3A_681 = arith.index_cast %add3A_678 : i32 to index
        %get3A_682 = arith.index_cast %add3A_680 : i32 to index
        %get3A_683 = tpu.vector_load %arg8[%get3A_681, %get3A_682] {strides = array<i32>} : memref<160x128xf32, #tpu.memory_space<vmem>>, vector<1x16xf32>,
        %get3A_684 = vector.shape_cast %get3A_683 : vector<1x16xf32> to vector<16xf32>
        %add3A_685 = arith.addf %add3A_676, %get3A_684 : vector<16xf32>
        %add3A_686 = arith.constant 9 : i32
        %add3A_687 = arith.addi %mul3A_110, %add3A_686 : i32
        %add3A_688 = arith.constant 32 : i32
        %add3A_689 = arith.addi %mul3A_178, %add3A_688 : i32
        %get3A_690 = arith.index_cast %add3A_687 : i32 to index
        %get3A_691 = arith.index_cast %add3A_689 : i32 to index
        %get3A_692 = tpu.vector_load %arg8[%get3A_690, %get3A_691] {strides = array<i32>} : memref<160x128xf32, #tpu.memory_space<vmem>>, vector<1x16xf32>,
        %get3A_693 = vector.shape_cast %get3A_692 : vector<1x16xf32> to vector<16xf32>
        %add3A_694 = arith.addf %add3A_685, %get3A_693 : vector<16xf32>
        %add3A_695 = arith.constant 10 : i32
        %add3A_696 = arith.addi %mul3A_110, %add3A_695 : i32
        %add3A_697 = arith.constant 32 : i32
        %add3A_698 = arith.addi %mul3A_184, %add3A_697 : i32
        %get3A_699 = arith.index_cast %add3A_696 : i32 to index
        %get3A_700 = arith.index_cast %add3A_698 : i32 to index
        %get3A_701 = tpu.vector_load %arg8[%get3A_699, %get3A_700] {strides = array<i32>} : memref<160x128xf32, #tpu.memory_space<vmem>>, vector<1x16xf32>,
        %get3A_702 = vector.shape_cast %get3A_701 : vector<1x16xf32> to vector<16xf32>
        %add3A_703 = arith.addf %add3A_694, %get3A_702 : vector<16xf32>
        %add3A_704 = arith.constant 11 : i32
        %add3A_705 = arith.addi %mul3A_110, %add3A_704 : i32
        %add3A_706 = arith.constant 32 : i32
        %add3A_707 = arith.addi %mul3A_190, %add3A_706 : i32
        %get3A_708 = arith.index_cast %add3A_705 : i32 to index
        %get3A_709 = arith.index_cast %add3A_707 : i32 to index
        %get3A_710 = tpu.vector_load %arg8[%get3A_708, %get3A_709] {strides = array<i32>} : memref<160x128xf32, #tpu.memory_space<vmem>>, vector<1x16xf32>,
        %get3A_711 = vector.shape_cast %get3A_710 : vector<1x16xf32> to vector<16xf32>
        %add3A_712 = arith.addf %add3A_703, %get3A_711 : vector<16xf32>
        %add3A_713 = arith.constant 12 : i32
        %add3A_714 = arith.addi %mul3A_110, %add3A_713 : i32
        %add3A_715 = arith.constant 32 : i32
        %add3A_716 = arith.addi %mul3A_196, %add3A_715 : i32
        %get3A_717 = arith.index_cast %add3A_714 : i32 to index
        %get3A_718 = arith.index_cast %add3A_716 : i32 to index
        %get3A_719 = tpu.vector_load %arg8[%get3A_717, %get3A_718] {strides = array<i32>} : memref<160x128xf32, #tpu.memory_space<vmem>>, vector<1x16xf32>,
        %get3A_720 = vector.shape_cast %get3A_719 : vector<1x16xf32> to vector<16xf32>
        %add3A_721 = arith.addf %add3A_712, %get3A_720 : vector<16xf32>
        %add3A_722 = arith.constant 13 : i32
        %add3A_723 = arith.addi %mul3A_110, %add3A_722 : i32
        %add3A_724 = arith.constant 32 : i32
        %add3A_725 = arith.addi %mul3A_202, %add3A_724 : i32
        %get3A_726 = arith.index_cast %add3A_723 : i32 to index
        %get3A_727 = arith.index_cast %add3A_725 : i32 to index
        %get3A_728 = tpu.vector_load %arg8[%get3A_726, %get3A_727] {strides = array<i32>} : memref<160x128xf32, #tpu.memory_space<vmem>>, vector<1x16xf32>,
        %get3A_729 = vector.shape_cast %get3A_728 : vector<1x16xf32> to vector<16xf32>
        %add3A_730 = arith.addf %add3A_721, %get3A_729 : vector<16xf32>
        %add3A_731 = arith.constant 14 : i32
        %add3A_732 = arith.addi %mul3A_110, %add3A_731 : i32
        %add3A_733 = arith.constant 32 : i32
        %add3A_734 = arith.addi %mul3A_208, %add3A_733 : i32
        %get3A_735 = arith.index_cast %add3A_732 : i32 to index
        %get3A_736 = arith.index_cast %add3A_734 : i32 to index
        %get3A_737 = tpu.vector_load %arg8[%get3A_735, %get3A_736] {strides = array<i32>} : memref<160x128xf32, #tpu.memory_space<vmem>>, vector<1x16xf32>,
        %get3A_738 = vector.shape_cast %get3A_737 : vector<1x16xf32> to vector<16xf32>
        %add3A_739 = arith.addf %add3A_730, %get3A_738 : vector<16xf32>
        %add3A_740 = arith.constant 15 : i32
        %add3A_741 = arith.addi %mul3A_110, %add3A_740 : i32
        %add3A_742 = arith.constant 32 : i32
        %add3A_743 = arith.addi %mul3A_214, %add3A_742 : i32
        %get3A_744 = arith.index_cast %add3A_741 : i32 to index
        %get3A_745 = arith.index_cast %add3A_743 : i32 to index
        %get3A_746 = tpu.vector_load %arg8[%get3A_744, %get3A_745] {strides = array<i32>} : memref<160x128xf32, #tpu.memory_space<vmem>>, vector<1x16xf32>,
        %get3A_747 = vector.shape_cast %get3A_746 : vector<1x16xf32> to vector<16xf32>
        %add3A_748 = arith.addf %add3A_739, %get3A_747 : vector<16xf32>
        %add3A_749 = arith.constant 16 : i32
        %add3A_750 = arith.addi %mul3A_110, %add3A_749 : i32
        %add3A_751 = arith.constant 32 : i32
        %add3A_752 = arith.addi %mul3A_220, %add3A_751 : i32
        %get3A_753 = arith.index_cast %add3A_750 : i32 to index
        %get3A_754 = arith.index_cast %add3A_752 : i32 to index
        %get3A_755 = tpu.vector_load %arg8[%get3A_753, %get3A_754] {strides = array<i32>} : memref<160x128xf32, #tpu.memory_space<vmem>>, vector<1x16xf32>,
        %get3A_756 = vector.shape_cast %get3A_755 : vector<1x16xf32> to vector<16xf32>
        %add3A_757 = arith.addf %add3A_748, %get3A_756 : vector<16xf32>
        %add3A_758 = arith.constant 17 : i32
        %add3A_759 = arith.addi %mul3A_110, %add3A_758 : i32
        %add3A_760 = arith.constant 32 : i32
        %add3A_761 = arith.addi %mul3A_226, %add3A_760 : i32
        %get3A_762 = arith.index_cast %add3A_759 : i32 to index
        %get3A_763 = arith.index_cast %add3A_761 : i32 to index
        %get3A_764 = tpu.vector_load %arg8[%get3A_762, %get3A_763] {strides = array<i32>} : memref<160x128xf32, #tpu.memory_space<vmem>>, vector<1x16xf32>,
        %get3A_765 = vector.shape_cast %get3A_764 : vector<1x16xf32> to vector<16xf32>
        %add3A_766 = arith.addf %add3A_757, %get3A_765 : vector<16xf32>
        %add3A_767 = arith.constant 18 : i32
        %add3A_768 = arith.addi %mul3A_110, %add3A_767 : i32
        %add3A_769 = arith.constant 32 : i32
        %add3A_770 = arith.addi %mul3A_232, %add3A_769 : i32
        %get3A_771 = arith.index_cast %add3A_768 : i32 to index
        %get3A_772 = arith.index_cast %add3A_770 : i32 to index
        %get3A_773 = tpu.vector_load %arg8[%get3A_771, %get3A_772] {strides = array<i32>} : memref<160x128xf32, #tpu.memory_space<vmem>>, vector<1x16xf32>,
        %get3A_774 = vector.shape_cast %get3A_773 : vector<1x16xf32> to vector<16xf32>
        %add3A_775 = arith.addf %add3A_766, %get3A_774 : vector<16xf32>
        %add3A_776 = arith.constant 19 : i32
        %add3A_777 = arith.addi %mul3A_110, %add3A_776 : i32
        %add3A_778 = arith.constant 32 : i32
        %add3A_779 = arith.addi %mul3A_238, %add3A_778 : i32
        %get3A_780 = arith.index_cast %add3A_777 : i32 to index
        %get3A_781 = arith.index_cast %add3A_779 : i32 to index
        %get3A_782 = tpu.vector_load %arg8[%get3A_780, %get3A_781] {strides = array<i32>} : memref<160x128xf32, #tpu.memory_space<vmem>>, vector<1x16xf32>,
        %get3A_783 = vector.shape_cast %get3A_782 : vector<1x16xf32> to vector<16xf32>
        %add3A_784 = arith.addf %add3A_775, %get3A_783 : vector<16xf32>
        %mul3A_785 = arith.constant 8 : i32
        %mul3A_786 = arith.muli %add3A_85, %mul3A_785 : i32
        %add3A_787 = arith.addi %mul3A_786, %scan3A_107 : i32
        %swap3A_788 = arith.index_cast %add3A_787 : i32 to index
        %swap3A_789 = arith.constant 32 : index
        %swap3A_790 = tpu.vector_load %arg9[%swap3A_788, %swap3A_789] {strides = array<i32>} : memref<512x64xf32, #tpu.memory_space<vmem>>, vector<1x16xf32>,
        %swap3A_791 = vector.shape_cast %swap3A_790 : vector<1x16xf32> to vector<16xf32>
        %swap3A_792 = vector.shape_cast %add3A_784 : vector<16xf32> to vector<1x16xf32>
        tpu.vector_store %arg9[%swap3A_788, %swap3A_789], %swap3A_792 {strides = array<i32>} : memref<512x64xf32, #tpu.memory_space<vmem>>, vector<1x16xf32>,
        %add3A_793 = arith.constant 48 : i32
        %add3A_794 = arith.addi %mul3A_124, %add3A_793 : i32
        %get3A_795 = arith.index_cast %mul3A_110 : i32 to index
        %get3A_796 = arith.index_cast %add3A_794 : i32 to index
        %get3A_797 = tpu.vector_load %arg8[%get3A_795, %get3A_796] {strides = array<i32>} : memref<160x128xf32, #tpu.memory_space<vmem>>, vector<1x16xf32>,
        %get3A_798 = vector.shape_cast %get3A_797 : vector<1x16xf32> to vector<16xf32>
        %add3A_799 = arith.constant 1 : i32
        %add3A_800 = arith.addi %mul3A_110, %add3A_799 : i32
        %add3A_801 = arith.constant 48 : i32
        %add3A_802 = arith.addi %mul3A_130, %add3A_801 : i32
        %get3A_803 = arith.index_cast %add3A_800 : i32 to index
        %get3A_804 = arith.index_cast %add3A_802 : i32 to index
        %get3A_805 = tpu.vector_load %arg8[%get3A_803, %get3A_804] {strides = array<i32>} : memref<160x128xf32, #tpu.memory_space<vmem>>, vector<1x16xf32>,
        %get3A_806 = vector.shape_cast %get3A_805 : vector<1x16xf32> to vector<16xf32>
        %add3A_807 = arith.addf %get3A_798, %get3A_806 : vector<16xf32>
        %add3A_808 = arith.constant 2 : i32
        %add3A_809 = arith.addi %mul3A_110, %add3A_808 : i32
        %add3A_810 = arith.constant 48 : i32
        %add3A_811 = arith.addi %mul3A_136, %add3A_810 : i32
        %get3A_812 = arith.index_cast %add3A_809 : i32 to index
        %get3A_813 = arith.index_cast %add3A_811 : i32 to index
        %get3A_814 = tpu.vector_load %arg8[%get3A_812, %get3A_813] {strides = array<i32>} : memref<160x128xf32, #tpu.memory_space<vmem>>, vector<1x16xf32>,
        %get3A_815 = vector.shape_cast %get3A_814 : vector<1x16xf32> to vector<16xf32>
        %add3A_816 = arith.addf %add3A_807, %get3A_815 : vector<16xf32>
        %add3A_817 = arith.constant 3 : i32
        %add3A_818 = arith.addi %mul3A_110, %add3A_817 : i32
        %add3A_819 = arith.constant 48 : i32
        %add3A_820 = arith.addi %mul3A_142, %add3A_819 : i32
        %get3A_821 = arith.index_cast %add3A_818 : i32 to index
        %get3A_822 = arith.index_cast %add3A_820 : i32 to index
        %get3A_823 = tpu.vector_load %arg8[%get3A_821, %get3A_822] {strides = array<i32>} : memref<160x128xf32, #tpu.memory_space<vmem>>, vector<1x16xf32>,
        %get3A_824 = vector.shape_cast %get3A_823 : vector<1x16xf32> to vector<16xf32>
        %add3A_825 = arith.addf %add3A_816, %get3A_824 : vector<16xf32>
        %add3A_826 = arith.constant 4 : i32
        %add3A_827 = arith.addi %mul3A_110, %add3A_826 : i32
        %add3A_828 = arith.constant 48 : i32
        %add3A_829 = arith.addi %mul3A_148, %add3A_828 : i32
        %get3A_830 = arith.index_cast %add3A_827 : i32 to index
        %get3A_831 = arith.index_cast %add3A_829 : i32 to index
        %get3A_832 = tpu.vector_load %arg8[%get3A_830, %get3A_831] {strides = array<i32>} : memref<160x128xf32, #tpu.memory_space<vmem>>, vector<1x16xf32>,
        %get3A_833 = vector.shape_cast %get3A_832 : vector<1x16xf32> to vector<16xf32>
        %add3A_834 = arith.addf %add3A_825, %get3A_833 : vector<16xf32>
        %add3A_835 = arith.constant 5 : i32
        %add3A_836 = arith.addi %mul3A_110, %add3A_835 : i32
        %add3A_837 = arith.constant 48 : i32
        %add3A_838 = arith.addi %mul3A_154, %add3A_837 : i32
        %get3A_839 = arith.index_cast %add3A_836 : i32 to index
        %get3A_840 = arith.index_cast %add3A_838 : i32 to index
        %get3A_841 = tpu.vector_load %arg8[%get3A_839, %get3A_840] {strides = array<i32>} : memref<160x128xf32, #tpu.memory_space<vmem>>, vector<1x16xf32>,
        %get3A_842 = vector.shape_cast %get3A_841 : vector<1x16xf32> to vector<16xf32>
        %add3A_843 = arith.addf %add3A_834, %get3A_842 : vector<16xf32>
        %add3A_844 = arith.constant 6 : i32
        %add3A_845 = arith.addi %mul3A_110, %add3A_844 : i32
        %add3A_846 = arith.constant 48 : i32
        %add3A_847 = arith.addi %mul3A_160, %add3A_846 : i32
        %get3A_848 = arith.index_cast %add3A_845 : i32 to index
        %get3A_849 = arith.index_cast %add3A_847 : i32 to index
        %get3A_850 = tpu.vector_load %arg8[%get3A_848, %get3A_849] {strides = array<i32>} : memref<160x128xf32, #tpu.memory_space<vmem>>, vector<1x16xf32>,
        %get3A_851 = vector.shape_cast %get3A_850 : vector<1x16xf32> to vector<16xf32>
        %add3A_852 = arith.addf %add3A_843, %get3A_851 : vector<16xf32>
        %add3A_853 = arith.constant 7 : i32
        %add3A_854 = arith.addi %mul3A_110, %add3A_853 : i32
        %add3A_855 = arith.constant 48 : i32
        %add3A_856 = arith.addi %mul3A_166, %add3A_855 : i32
        %get3A_857 = arith.index_cast %add3A_854 : i32 to index
        %get3A_858 = arith.index_cast %add3A_856 : i32 to index
        %get3A_859 = tpu.vector_load %arg8[%get3A_857, %get3A_858] {strides = array<i32>} : memref<160x128xf32, #tpu.memory_space<vmem>>, vector<1x16xf32>,
        %get3A_860 = vector.shape_cast %get3A_859 : vector<1x16xf32> to vector<16xf32>
        %add3A_861 = arith.addf %add3A_852, %get3A_860 : vector<16xf32>
        %add3A_862 = arith.constant 8 : i32
        %add3A_863 = arith.addi %mul3A_110, %add3A_862 : i32
        %add3A_864 = arith.constant 48 : i32
        %add3A_865 = arith.addi %mul3A_172, %add3A_864 : i32
        %get3A_866 = arith.index_cast %add3A_863 : i32 to index
        %get3A_867 = arith.index_cast %add3A_865 : i32 to index
        %get3A_868 = tpu.vector_load %arg8[%get3A_866, %get3A_867] {strides = array<i32>} : memref<160x128xf32, #tpu.memory_space<vmem>>, vector<1x16xf32>,
        %get3A_869 = vector.shape_cast %get3A_868 : vector<1x16xf32> to vector<16xf32>
        %add3A_870 = arith.addf %add3A_861, %get3A_869 : vector<16xf32>
        %add3A_871 = arith.constant 9 : i32
        %add3A_872 = arith.addi %mul3A_110, %add3A_871 : i32
        %add3A_873 = arith.constant 48 : i32
        %add3A_874 = arith.addi %mul3A_178, %add3A_873 : i32
        %get3A_875 = arith.index_cast %add3A_872 : i32 to index
        %get3A_876 = arith.index_cast %add3A_874 : i32 to index
        %get3A_877 = tpu.vector_load %arg8[%get3A_875, %get3A_876] {strides = array<i32>} : memref<160x128xf32, #tpu.memory_space<vmem>>, vector<1x16xf32>,
        %get3A_878 = vector.shape_cast %get3A_877 : vector<1x16xf32> to vector<16xf32>
        %add3A_879 = arith.addf %add3A_870, %get3A_878 : vector<16xf32>
        %add3A_880 = arith.constant 10 : i32
        %add3A_881 = arith.addi %mul3A_110, %add3A_880 : i32
        %add3A_882 = arith.constant 48 : i32
        %add3A_883 = arith.addi %mul3A_184, %add3A_882 : i32
        %get3A_884 = arith.index_cast %add3A_881 : i32 to index
        %get3A_885 = arith.index_cast %add3A_883 : i32 to index
        %get3A_886 = tpu.vector_load %arg8[%get3A_884, %get3A_885] {strides = array<i32>} : memref<160x128xf32, #tpu.memory_space<vmem>>, vector<1x16xf32>,
        %get3A_887 = vector.shape_cast %get3A_886 : vector<1x16xf32> to vector<16xf32>
        %add3A_888 = arith.addf %add3A_879, %get3A_887 : vector<16xf32>
        %add3A_889 = arith.constant 11 : i32
        %add3A_890 = arith.addi %mul3A_110, %add3A_889 : i32
        %add3A_891 = arith.constant 48 : i32
        %add3A_892 = arith.addi %mul3A_190, %add3A_891 : i32
        %get3A_893 = arith.index_cast %add3A_890 : i32 to index
        %get3A_894 = arith.index_cast %add3A_892 : i32 to index
        %get3A_895 = tpu.vector_load %arg8[%get3A_893, %get3A_894] {strides = array<i32>} : memref<160x128xf32, #tpu.memory_space<vmem>>, vector<1x16xf32>,
        %get3A_896 = vector.shape_cast %get3A_895 : vector<1x16xf32> to vector<16xf32>
        %add3A_897 = arith.addf %add3A_888, %get3A_896 : vector<16xf32>
        %add3A_898 = arith.constant 12 : i32
        %add3A_899 = arith.addi %mul3A_110, %add3A_898 : i32
        %add3A_900 = arith.constant 48 : i32
        %add3A_901 = arith.addi %mul3A_196, %add3A_900 : i32
        %get3A_902 = arith.index_cast %add3A_899 : i32 to index
        %get3A_903 = arith.index_cast %add3A_901 : i32 to index
        %get3A_904 = tpu.vector_load %arg8[%get3A_902, %get3A_903] {strides = array<i32>} : memref<160x128xf32, #tpu.memory_space<vmem>>, vector<1x16xf32>,
        %get3A_905 = vector.shape_cast %get3A_904 : vector<1x16xf32> to vector<16xf32>
        %add3A_906 = arith.addf %add3A_897, %get3A_905 : vector<16xf32>
        %add3A_907 = arith.constant 13 : i32
        %add3A_908 = arith.addi %mul3A_110, %add3A_907 : i32
        %add3A_909 = arith.constant 48 : i32
        %add3A_910 = arith.addi %mul3A_202, %add3A_909 : i32
        %get3A_911 = arith.index_cast %add3A_908 : i32 to index
        %get3A_912 = arith.index_cast %add3A_910 : i32 to index
        %get3A_913 = tpu.vector_load %arg8[%get3A_911, %get3A_912] {strides = array<i32>} : memref<160x128xf32, #tpu.memory_space<vmem>>, vector<1x16xf32>,
        %get3A_914 = vector.shape_cast %get3A_913 : vector<1x16xf32> to vector<16xf32>
        %add3A_915 = arith.addf %add3A_906, %get3A_914 : vector<16xf32>
        %add3A_916 = arith.constant 14 : i32
        %add3A_917 = arith.addi %mul3A_110, %add3A_916 : i32
        %add3A_918 = arith.constant 48 : i32
        %add3A_919 = arith.addi %mul3A_208, %add3A_918 : i32
        %get3A_920 = arith.index_cast %add3A_917 : i32 to index
        %get3A_921 = arith.index_cast %add3A_919 : i32 to index
        %get3A_922 = tpu.vector_load %arg8[%get3A_920, %get3A_921] {strides = array<i32>} : memref<160x128xf32, #tpu.memory_space<vmem>>, vector<1x16xf32>,
        %get3A_923 = vector.shape_cast %get3A_922 : vector<1x16xf32> to vector<16xf32>
        %add3A_924 = arith.addf %add3A_915, %get3A_923 : vector<16xf32>
        %add3A_925 = arith.constant 15 : i32
        %add3A_926 = arith.addi %mul3A_110, %add3A_925 : i32
        %add3A_927 = arith.constant 48 : i32
        %add3A_928 = arith.addi %mul3A_214, %add3A_927 : i32
        %get3A_929 = arith.index_cast %add3A_926 : i32 to index
        %get3A_930 = arith.index_cast %add3A_928 : i32 to index
        %get3A_931 = tpu.vector_load %arg8[%get3A_929, %get3A_930] {strides = array<i32>} : memref<160x128xf32, #tpu.memory_space<vmem>>, vector<1x16xf32>,
        %get3A_932 = vector.shape_cast %get3A_931 : vector<1x16xf32> to vector<16xf32>
        %add3A_933 = arith.addf %add3A_924, %get3A_932 : vector<16xf32>
        %add3A_934 = arith.constant 16 : i32
        %add3A_935 = arith.addi %mul3A_110, %add3A_934 : i32
        %add3A_936 = arith.constant 48 : i32
        %add3A_937 = arith.addi %mul3A_220, %add3A_936 : i32
        %get3A_938 = arith.index_cast %add3A_935 : i32 to index
        %get3A_939 = arith.index_cast %add3A_937 : i32 to index
        %get3A_940 = tpu.vector_load %arg8[%get3A_938, %get3A_939] {strides = array<i32>} : memref<160x128xf32, #tpu.memory_space<vmem>>, vector<1x16xf32>,
        %get3A_941 = vector.shape_cast %get3A_940 : vector<1x16xf32> to vector<16xf32>
        %add3A_942 = arith.addf %add3A_933, %get3A_941 : vector<16xf32>
        %add3A_943 = arith.constant 17 : i32
        %add3A_944 = arith.addi %mul3A_110, %add3A_943 : i32
        %add3A_945 = arith.constant 48 : i32
        %add3A_946 = arith.addi %mul3A_226, %add3A_945 : i32
        %get3A_947 = arith.index_cast %add3A_944 : i32 to index
        %get3A_948 = arith.index_cast %add3A_946 : i32 to index
        %get3A_949 = tpu.vector_load %arg8[%get3A_947, %get3A_948] {strides = array<i32>} : memref<160x128xf32, #tpu.memory_space<vmem>>, vector<1x16xf32>,
        %get3A_950 = vector.shape_cast %get3A_949 : vector<1x16xf32> to vector<16xf32>
        %add3A_951 = arith.addf %add3A_942, %get3A_950 : vector<16xf32>
        %add3A_952 = arith.constant 18 : i32
        %add3A_953 = arith.addi %mul3A_110, %add3A_952 : i32
        %add3A_954 = arith.constant 48 : i32
        %add3A_955 = arith.addi %mul3A_232, %add3A_954 : i32
        %get3A_956 = arith.index_cast %add3A_953 : i32 to index
        %get3A_957 = arith.index_cast %add3A_955 : i32 to index
        %get3A_958 = tpu.vector_load %arg8[%get3A_956, %get3A_957] {strides = array<i32>} : memref<160x128xf32, #tpu.memory_space<vmem>>, vector<1x16xf32>,
        %get3A_959 = vector.shape_cast %get3A_958 : vector<1x16xf32> to vector<16xf32>
        %add3A_960 = arith.addf %add3A_951, %get3A_959 : vector<16xf32>
        %add3A_961 = arith.constant 19 : i32
        %add3A_962 = arith.addi %mul3A_110, %add3A_961 : i32
        %add3A_963 = arith.constant 48 : i32
        %add3A_964 = arith.addi %mul3A_238, %add3A_963 : i32
        %get3A_965 = arith.index_cast %add3A_962 : i32 to index
        %get3A_966 = arith.index_cast %add3A_964 : i32 to index
        %get3A_967 = tpu.vector_load %arg8[%get3A_965, %get3A_966] {strides = array<i32>} : memref<160x128xf32, #tpu.memory_space<vmem>>, vector<1x16xf32>,
        %get3A_968 = vector.shape_cast %get3A_967 : vector<1x16xf32> to vector<16xf32>
        %add3A_969 = arith.addf %add3A_960, %get3A_968 : vector<16xf32>
        %mul3A_970 = arith.constant 8 : i32
        %mul3A_971 = arith.muli %add3A_85, %mul3A_970 : i32
        %add3A_972 = arith.addi %mul3A_971, %scan3A_107 : i32
        %swap3A_973 = arith.index_cast %add3A_972 : i32 to index
        %swap3A_974 = arith.constant 48 : index
        %swap3A_975 = tpu.vector_load %arg9[%swap3A_973, %swap3A_974] {strides = array<i32>} : memref<512x64xf32, #tpu.memory_space<vmem>>, vector<1x16xf32>,
        %swap3A_976 = vector.shape_cast %swap3A_975 : vector<1x16xf32> to vector<16xf32>
        %swap3A_977 = vector.shape_cast %add3A_969 : vector<16xf32> to vector<1x16xf32>
        tpu.vector_store %arg9[%swap3A_973, %swap3A_974], %swap3A_977 {strides = array<i32>} : memref<512x64xf32, #tpu.memory_space<vmem>>, vector<1x16xf32>,
        %scan3A_978 = arith.constant 0 : i32
        scf.yield %scan3A_978 : i32
      }
      %scan3A_98 = arith.constant 8 : i32
      %add3A_99 = arith.constant 2 : i32
      %add3A_100 = arith.addi %add3A_85, %add3A_99 : i32
      %lt3A_101 = arith.constant 64 : i32
      %lt3A_102 = arith.cmpi slt, %add3A_100, %lt3A_101 : i32
      %convert_element_type3A_103 = arith.extui %lt3A_102 : i1 to i32
      %cond3A_104 = arith.constant 0 : i32
      %cond3A_105 = arith.cmpi ne, %convert_element_type3A_103, %cond3A_104 : i32
      scf.if %cond3A_105 {
        %mul3A_107 = arith.constant 160 : i32
        %mul3A_108 = arith.muli %add3A_100, %mul3A_107 : i32
        %dma_start3A_109 = tpu.memref_slice %arg6[%mul3A_108] : memref<10240xi32, #tpu.memory_space<vmem>> -> memref<160xi32, #tpu.memory_space<vmem>>
        %dma_start3A_110 = arith.constant 0 : i32
        %dma_start3A_111 = arith.constant 0 : i32
        %dma_start3A_112 = tpu.memref_slice %arg3[%dma_start3A_110, %dma_start3A_111] : memref<2000000x128xf32, #tpu.memory_space<hbm>> -> memref<2000000x128xf32, #tpu.memory_space<hbm>>
        tpu.enqueue_indirect_dma source(%dma_start3A_112 : memref<2000000x128xf32, #tpu.memory_space<hbm>>) target(%arg8 : memref<160x128xf32, #tpu.memory_space<vmem>>) offsets(%dma_start3A_109 : memref<160xi32, #tpu.memory_space<vmem>>) semaphore(%arg11 : memref<!tpu.dma_semaphore, #tpu.memory_space<semaphore_mem>>)
      } else {
      }
      %scan3A_106 = arith.constant 0 : i32
      scf.yield %scan3A_106 : i32
    }
    %scan3A_58 = arith.constant 32 : i32
    "tpu.region"() ({
      %run_scoped3A = tpu.sem_alloc : memref<!tpu.dma_semaphore, #tpu.memory_space<semaphore_mem>>
      %dma_start3A_59 = arith.constant 0 : i32
      %dma_start3A_60 = tpu.memref_slice %arg4[%mul3A_32, %select_n3A, %dma_start3A_59] : memref<4096x4x64xf32, #tpu.memory_space<hbm>> -> memref<512x1x64xf32, #tpu.memory_space<hbm>>
      %dma_start3A_61 = tpu.memref_squeeze %dma_start3A_60 : memref<512x1x64xf32, #tpu.memory_space<hbm>> -> memref<512x64xf32, #tpu.memory_space<hbm>>
      %dma_start3A_62 = arith.constant 0 : i32
      %dma_start3A_63 = tpu.memref_slice %arg4[%mul3A_32, %select_n3A, %dma_start3A_62] : memref<4096x4x64xf32, #tpu.memory_space<hbm>> -> memref<512x1x64xf32, #tpu.memory_space<hbm>>
      %dma_start3A_64 = tpu.memref_squeeze %dma_start3A_63 : memref<512x1x64xf32, #tpu.memory_space<hbm>> -> memref<512x64xf32, #tpu.memory_space<hbm>>
      tpu.enqueue_dma source(%arg9 : memref<512x64xf32, #tpu.memory_space<vmem>>) target(%dma_start3A_64 : memref<512x64xf32, #tpu.memory_space<hbm>>) target_semaphore(%run_scoped3A : memref<!tpu.dma_semaphore, #tpu.memory_space<semaphore_mem>>)
      %dma_wait3A = arith.constant 0 : i32
      %dma_wait3A_65 = tpu.memref_slice %arg4[%mul3A_32, %select_n3A, %dma_wait3A] : memref<4096x4x64xf32, #tpu.memory_space<hbm>> -> memref<512x1x64xf32, #tpu.memory_space<hbm>>
      %dma_wait3A_66 = tpu.memref_squeeze %dma_wait3A_65 : memref<512x1x64xf32, #tpu.memory_space<hbm>> -> memref<512x64xf32, #tpu.memory_space<hbm>>
      %dma_wait3A_67 = arith.constant 0 : i32
      %dma_wait3A_68 = tpu.memref_slice %arg4[%mul3A_32, %select_n3A, %dma_wait3A_67] : memref<4096x4x64xf32, #tpu.memory_space<hbm>> -> memref<512x1x64xf32, #tpu.memory_space<hbm>>
      %dma_wait3A_69 = tpu.memref_squeeze %dma_wait3A_68 : memref<512x1x64xf32, #tpu.memory_space<hbm>> -> memref<512x64xf32, #tpu.memory_space<hbm>>
      tpu.wait_dma2 semaphore(%run_scoped3A : memref<!tpu.dma_semaphore, #tpu.memory_space<semaphore_mem>>) src(%arg9 : memref<512x64xf32, #tpu.memory_space<vmem>>) dst(%dma_wait3A_69 : memref<512x64xf32, #tpu.memory_space<hbm>>)
      tpu.yield
    }) : () -> ()
    return
  }
}

</mosaic_0001>

<sc_bundles>
// kernel: kernel.3.cloned.1.call-start
scs
__scs_entry_jumppad:
0x0: {  	(pc) =	sbr.rel $0x88, $3  }
0x1: {  	(tag) =	ssettag $0x0;
	lr =	simm.s32 $0x1  }
0x2: {  	[smem:$0x3F9F] =	sst lr;
	_ =	strace $0xD0000000  }
0x3: {  	_ = 	snop  }
0x4: {  	_ = 	snop  }
0x5: {  	_ = 	snop  }
0x6: {  	_ = 	snop  }
0x7: {  	_ = 	snop  }
__scs_overlays_trampoline_lowered:
0x8: {  	[smem:$0x3FAE] =	sst s0  }
0x9: {  	[smem:$0x3FAF] =	sst s1  }
0xa: {  	[smem:$0x3FB0] =	sst s2  }
0xb: {  	[smem:$0x3FB1] =	sst s3  }
0xc: {  	[smem:$0x3FB2] =	sst s4  }
0xd: {  	[smem:$0x3FB3] =	sst s5  }
0xe: {  	[smem:$0x3FB4] =	sst s6  }
0xf: {  	[smem:$0x3FB5] =	sst s7  }
0x10: {  	[smem:$0x3FB6] =	sst s8  }
0x11: {  	[smem:$0x3FB7] =	sst s9;
	s0 =	simm.s32 @!p0 $0x0  }
0x12: {  	s1 =	sld [smem:$0x3F9D];
	s0 =	simm.s32 @p0 $0x1  }
0x13: {  	[smem:$0x3FB8] =	sst s0;
	s0 =	simm.s32 @!p1 $0x0  }
0x14: {  	s2 =	sld [smem:$0x3F9C];
	s0 =	simm.s32 @p1 $0x1  }
0x15: {  	[smem:$0x3FB9] =	sst s0;
	s0 =	simm.s32 @!p2 $0x0  }
0x16: {  	s3 =	sld [smem:$0x3FDB];
	s0 =	simm.s32 @p2 $0x1  }
0x17: {  	s4 =	simm.s32 $0x1BF5;
	[smem:$0x3FBB] =	sst s0  }
0x18: {  	s0 =	sld [smem:$0x3F9E];
	_ =	swait.ge [sflag:s4], $0x0  }
0x19: {  	s7 =	sld [smem:$0x3F9F]  }
0x1a: {  	s8 =	sadd.s32 $0xFFFFE003, lr  }
0x1b: {  	s9 =	sadd.s32 $0xFFFFFEF7, lr;
	s5 =	simm.s32 $0xFFFFFFFF;
	p2 =	slt.u32 s8, $0xFFFFF086  }
0x1c: {  	p1 =	slt.u32 s9, $0xF7A;
	s5 =	simm.s32 @!p2 $0x0  }
0x1d: {  	s5 =	simm.s32 @p1 $0x1;
	p0 =	seq.s32 s7, s2  }
0x1e: {  	s7 =	smul.u32 @!p0 $0xF7A, s2;
	p2 =	seq.s32 @!p0 s5, $0x0  }
0x1f: {  	s9 =	smul.u32 $0xF7A, s1;
	s8 =	simm.s32 @!p0 $0x1BF5;
	p2 =	por !p2, p0  }
0x20: {  	[sflag:s8] =	ssyncset.s32 @!p0 $0xFFFFF086;
	s6 =	sadd.s32 @!p0 s3, s7;
	s7 =	simm.s32 @!p0 $0x108  }
0x21: {  	s3 =	sadd.s32 s3, s9;
	s6 =	sadd.s32 @!p0 $0x88, s6;
	s7 =	simm.s32 @p2 $0x1082  }
0x22: {  	[simem:s7], [sflag:s8] =	dma.local @!p0 [hbm:s6], $0xF7A  }
0x23: {  	s9 =	sor.u32 $0xD0000000, s2;
	s6 =	simm.s32 $0x108;
	_ =	swait.ge @!p0 [sflag:s8], $0x0  }
0x24: {  	s3 =	sadd.s32 $0x88, s3;
	s6 =	simm.s32 @!p1 $0x1082;
	[sflag:s4] =	ssyncset.s32 $0xFFFFF086  }
0x25: {  	[simem:s6], [sflag:s4] =	dma.local [hbm:s3], $0xF7A  }
0x26: {  	[smem:$0x3F9F] =	sst s1;
	(tag) =	ssettag s2;
	_ =	strace s9  }
0x27: {  	s1 =	sld [smem:$0x3FAF]  }
0x28: {  	s2 =	sld [smem:$0x3FB0]  }
0x29: {  	s4 =	sld [smem:$0x3FB2]  }
0x2a: {  	p0 =	seq.s32 s5, $0x0;
	s5 =	sld [smem:$0x3FB3]  }
0x2b: {  	s6 =	sld [smem:$0x3FB4]  }
0x2c: {  	s7 =	sld [smem:$0x3FB5]  }
0x2d: {  	s3 =	simm.s32 $0x108;
	s8 =	sld [smem:$0x3FB6]  }
0x2e: {  	s3 =	simm.s32 @!p0 $0x1082;
	s9 =	sld [smem:$0x3FB7]  }
0x2f: {  	lr =	sadd.s32 s0, s3;
	s0 =	sld [smem:$0x3FAE]  }
0x30: {  	s3 =	sld [smem:$0x3FB1]  }
0x31: {  	[smem:$0x3FBA] =	sst s10  }
0x32: {  	s10 =	sld [smem:$0x3FB8];
	_ =	sdelay $0x3  }
0x33: {  	p0 =	seq.s32 s10, $0x1;
	s10 =	sld [smem:$0x3FBA];
	_ =	sdelay $0x3  }
0x34: {  	[smem:$0x3FBA] =	sst s10  }
0x35: {  	s10 =	sld [smem:$0x3FB9];
	_ =	sdelay $0x3  }
0x36: {  	p1 =	seq.s32 s10, $0x1;
	s10 =	sld [smem:$0x3FBA];
	_ =	sdelay $0x3  }
0x37: {  	[smem:$0x3FBA] =	sst s10  }
0x38: {  	s10 =	sld [smem:$0x3FBB]  }
0x39: {  	_ = 	snop;
	(pc) =	sbr.ind lr, $3  }
0x3a: {  	_ = 	snop  }
0x3b: {  	_ = 	snop  }
0x3c: {  	p2 =	seq.s32 s10, $0x1;
	s10 =	sld [smem:$0x3FBA]  }
0x3d: {  	_ =	shalt  }
0x3e: {  	_ =	shalt  }
0x3f: {  	_ =	shalt  }
0x40: {  	_ =	shalt  }
0x41: {  	_ =	shalt  }
0x42: {  	_ =	shalt  }
0x43: {  	_ =	shalt  }
0x44: {  	_ =	shalt  }
0x45: {  	_ =	shalt  }
0x46: {  	_ =	shalt  }
0x47: {  	_ =	shalt  }
0x48: {  	_ =	shalt  }
0x49: {  	_ =	shalt  }
0x4a: {  	_ =	shalt  }
0x4b: {  	_ =	shalt  }
0x4c: {  	_ =	shalt  }
0x4d: {  	_ =	shalt  }
0x4e: {  	_ =	shalt  }
0x4f: {  	_ =	shalt  }
0x50: {  	_ =	shalt  }
0x51: {  	_ =	shalt  }
0x52: {  	_ =	shalt  }
0x53: {  	_ =	shalt  }
0x54: {  	_ =	shalt  }
0x55: {  	_ =	shalt  }
0x56: {  	_ =	shalt  }
0x57: {  	_ =	shalt  }
0x58: {  	_ =	shalt  }
0x59: {  	_ =	shalt  }
0x5a: {  	_ =	shalt  }
0x5b: {  	_ =	shalt  }
0x5c: {  	_ =	shalt  }
0x5d: {  	_ =	shalt  }
0x5e: {  	_ =	shalt  }
0x5f: {  	_ =	shalt  }
0x60: {  	_ =	shalt  }
0x61: {  	_ =	shalt  }
0x62: {  	_ =	shalt  }
0x63: {  	_ =	shalt  }
0x64: {  	_ =	shalt  }
0x65: {  	_ =	shalt  }
0x66: {  	_ =	shalt  }
0x67: {  	_ =	shalt  }
0x68: {  	_ =	shalt  }
0x69: {  	_ =	shalt  }
0x6a: {  	_ =	shalt  }
0x6b: {  	_ =	shalt  }
0x6c: {  	_ =	shalt  }
0x6d: {  	_ =	shalt  }
0x6e: {  	_ =	shalt  }
0x6f: {  	_ =	shalt  }
0x70: {  	_ =	shalt  }
0x71: {  	_ =	shalt  }
0x72: {  	_ =	shalt  }
0x73: {  	_ =	shalt  }
0x74: {  	_ =	shalt  }
0x75: {  	_ =	shalt  }
0x76: {  	_ =	shalt  }
0x77: {  	_ =	shalt  }
0x78: {  	_ =	shalt  }
0x79: {  	_ =	shalt  }
0x7a: {  	_ =	shalt  }
0x7b: {  	_ =	shalt  }
0x7c: {  	_ =	shalt  }
0x7d: {  	_ =	shalt  }
0x7e: {  	_ =	shalt  }
0x7f: {  	_ =	shalt  }
0x80: {  	_ =	shalt  }
0x81: {  	_ =	shalt  }
0x82: {  	_ =	shalt  }
0x83: {  	_ =	shalt  }
0x84: {  	_ =	shalt  }
0x85: {  	_ =	shalt  }
0x86: {  	_ =	shalt  }
0x87: {  	_ =	shalt  }
.Lfunc_end0:
.L_simem_size_0:
called_computation_lowered:
.L_overlay_start_0:
0x88: {  	s2 =	sld [smem:$0x3FD9]  }
0x89: {  	s3 =	sld [smem:$0x3FFE];
	_ =	sdelay $0x1  }
0x8a: {  	s1 =	srdreg.scid  }
0x8b: {  	s0 =	sand.u32 $0x1, s1  }
0x8c: {  	s17 =	sshll.u32 s0, $0xA;
	s2 =	sadd.s32 s3, s2  }
0x8d: {  	s2 =	sadd.s32 s2, s17  }
0x8e: {  	[smem:$0x3FC6] =	sst s2  }
0x8f: {  	_ = 	snop  }
0x90: {  	s2 =	sld [smem:$0x3FD0];
	(tm) =	ssettm $0x1  }
0x91: {  	s18 =	sld [smem:$0x3FFB];
	_ =	sdelay $0x3  }
0x92: {  	_ =	strace s18  }
0x93: {  	s3 =	sld [smem:$0x3FFC];
	_ =	sdelay $0x3  }
0x94: {  	_ =	strace s3  }
0x95: {  	s3 =	sld [smem:$0x3FFD];
	_ =	sdelay $0x3  }
0x96: {  	_ =	strace s3  }
0x97: {  	_ =	strace $0x8FFFFFFF  }
0x98: {  	s19 =	sld [smem:$0x3FDB];
	_ =	sdelay $0x1  }
0x99: {  	s4 =	simm.s32 $_scs_section_size  }
0x9a: {  	s5 =	simm.s32 $_size__tile_overlayer_lowered;
	s6 =	simm.s32 $_tile_overlayer_lowered  }
0x9b: {  	s22 =	simm.s32 $0x1BFF;
	s21 =	sshll.u32 s6, $0x1;
	s3 =	sadd.s32 s4, s19  }
0x9c: {  	s7 =	simm.s32 $0x0;
	s20 =	sshll.u32 s5, $0x1;
	s5 =	sadd.s32 s21, s3  }
0x9d: {  	[timem:s7], [sflag:s22] =	dma.local [hbm:s5], s20  }
0x9e: {  	_ =	swait.ge [sflag:s22], s20  }
0x9f: {  	s4 =	ssub.s32 $0x0, s20;
	[sflag:s22] =	ssyncset.done $0x0  }
0xa0: {  	[sflag:s22] =	ssyncadd.s32 s4;
	_ =	sdelay $0x1  }
0xa1: {  	s23 =	simm.s32 $0x1B8B  }
0xa2: {  	_ =	swait.ge [sflag:s23], $0x1  }
0xa3: {  	[sflag:s23] =	ssyncset.done $0x0  }
0xa4: {  	s25 =	simm.s32 $0x1B8E;
	s24 =	sld [smem:$0x3FFE];
	[sflag:s23] =	ssyncadd.s32 $0xFFFFFFFF  }
0xa5: {  	s26 =	simm.s32 $execute0_lowered;
	[smem:$0x3FD2] =	sst s25  }
0xa6: {  	s5 =	sshll.u32 s26, $0x1;
	_ =	strace $0x80000046;
	[dreg:$0x1] =	wrdreg $0xFFFFFFFF  }
0xa7: {  	s28 =	simm.s32 $_size_execute0_lowered;
	s3 =	sadd.s32 s3, s5;
	[dreg:$0x0] =	wrdreg $0x0  }
0xa8: {  	s5 =	sshll.u32 s28, $0x1;
	[dreg:$0x2] =	wrdreg s3  }
0xa9: {  	[dreg:$0x3] =	wrdreg s5  }
0xaa: {  	[dreg:$0x4] =	wrdreg $0xC0  }
0xab: {  	_ =	task [dreg:s7], $0x5FFFF  }
0xac: {  	[dreg:$0x1] =	wrdreg $0xFFFFFFFF  }
0xad: {  	[dreg:$0x0] =	wrdreg $0x60  }
0xae: {  	[dreg:$0x2] =	wrdreg s2  }
0xaf: {  	[dreg:$0x3] =	wrdreg s24  }
0xb0: {  	[dreg:$0x4] =	wrdreg $0x9  }
0xb1: {  	_ =	task.clear_ibuf [dreg:s7], $0x5FFFF;
	_ =	strace $0x90000046  }
0xb2: {  	s29 =	simm.s32 $0x9;
	_ =	strace $0x80000048  }
0xb3: {  	_ =	swait.ge [sflag:s29], $0x1  }
0xb4: {  	[sflag:s29] =	ssyncadd.s32 $0xFFFFFFFF  }
0xb5: {  	_ =	strace $0x90000048  }
0xb6: {  	_ =	sfence  }
0xb7: {  	s30 =	sld [smem:$0x0];
	_ =	sdelay $0x2  }
0xb8: {  	s31 =	sshll.u32 s1, $0xD;
	s1 =	sshrl.u32 s1, $0x2  }
0xb9: {  	s3 =	sand.u32 $0x4000, s31;
	s1 =	sadd.s32 s1, s30  }
0xba: {  	s0 =	sor.u32 s3, s0;
	s1 =	sshll.u32 s1, $0x11  }
0xbb: {  	s0 =	sor.u32 s1, s0  }
0xbc: {  	s0 =	sadd.s32 $0x8F2B, s0  }
0xbd: {  	[sflag:s0] =	ssyncadd.remote.s32 $0x1  }
0xbe: {  	_ =	sfence.sel $0xFFFF  }
0xbf: {  	[dreg:$0x0] =	wrdreg $0xFFFFFFFF;
	(pc) =	sbr.abs _section_cstart, $3  }
0xc0: {  	[dreg:$0x1] =	wrdreg $0xFFFFFFFF  }
0xc1: {  	_ =	task.clear_ibuf [dreg:s7], $0x2FFFF;
	_ =	strace $0x9FFFFFFF  }
0xc2: {  	(tm) =	ssettm $0x7FFFFFFF  }
0xc3: {  	_ =	shalt  }
tec
execute0_lowered:
.L_overlay_start_1:
0x0: {  	(tag) =	ssettag $0x1  }
0x1: {  	s0 =	srdreg.scid  }
0x2: {  	s0 =	sand.u32 $0x1, s0  }
0x3: {  	s2 =	stileid.u32;
	s1 =	sshll.u32 s0, $0x4  }
0x4: {  	s1 =	sor.u32 s2, s1;
	s2 =	sand.u32 $0x7, s2  }
0x5: {  	p0 =	seq.s32 s1, $0x0;
	p1 =	sne.s32 s2, $0x0  }
0x6: {  	s3 =	simm.s32 $0x1;
	s4 =	rddreg [dreg:$0x0];
	p0 =	por !p1, !p0  }
0x7: {  	s6 =	rddreg [dreg:$0x1];
	s7 =	simm.s32 $0x0;
	p0 =	por !p0, !p0  }
0x8: {  	[smem:$0x7FF] =	sst s7;
	s5 =	sshrl.u32 s1, $0x3;
	s3 =	simm.s32 @!p0 $0x0  }
0x9: {  	s29 =	sadd.s32 $0x3D09600, s6;
	_ =	strace $0x80000047;
	s3 =	ssub.s32 s5, s3  }
0xa: {  	[dreg:$0x3] =	wrdreg s29;
	s0 =	ssub.s32 $0x2, s0;
	s5 =	sshll.u32 s3, $0x7  }
0xb: {  	s30 =	sshrl.u32 s0, $0x1;
	s2 =	sshll.u32 s2, $0x12;
	s28 =	sand.u32 $0xFFFFFE00, s5  }
0xc: {  	s1 =	smul.u32 $0x500, s1;
	s5 =	sand.u32 $0x180, s5;
	s2 =	sadd.s32 s2, s28  }
.Ltmp0:
0xd: {  	s0 =	ssub.s32 s0, s30;
	s2 =	sor.u32 s5, s2;
	(pc) =	sbr.rel .LBB2_1-.Ltmp0, $4  }
0xe: {  	s0 =	smax.u32 s0, $0x1;
	s1 =	sadd.s32 s4, s1;
	s2 =	sshrl.u32 s2, $0x3  }
0xf: {  	[dreg:$0x6] =	wrdreg s0;
	s31 =	smul.u32 $0xF4240, s3;
	s2 =	sadd.s32 s2, s6  }
0x10: {  	[dreg:$0x4] =	wrdreg s1;
	s2 =	sadd.s32 $0x600, s2  }
0x11: {  	s1 =	simm.s32 $0x0;
	v0 =	vmov s31;
	[dreg:$0x5] =	wrdreg s2;
	s2 =	simm.s32 $0x3  }
.LBB2_10:
0x12: {  	s0 =	rddreg [dreg:$0x5]  }
0x13: {  	s1 =	simm.s32 $0x80;
	s2 =	simm.s32 $0x200;
	s3 =	simm.s32 $0xF000  }
0x14: {  	[hbm4b:s0+s1] =	stream.strided.scatter [tilespmem:s3], [sflag:$0x3], $0x10000, s2, s1, $0x38;
	[tilespmem:$0x1F000] =	vst v63  }
0x15: {  	s2 =	simm.s32 $0x3  }
0x16: {  	_ =	swait.ge [sflag:s2], $0x10000  }
0x17: {  	s30 =	rddreg [dreg:$0x7]  }
0x18: {  	s31 =	rddreg [dreg:$0x6];
	s1 =	sadd.s32 $0x1, s30  }
0x19: {  	p0 =	sne.s32 s1, s31  }
.Ltmp1:
0x1a: {  	_ = 	snop;
	(pc) =	sbr.rel @!p0 .LBB2_11-.Ltmp1, $3  }
0x1b: {  	_ =	sdelay $0x1  }
0x1c: {  	[sflag:s2] =	ssyncset.done $0x0  }
0x1d: {  	[sflag:s2] =	ssyncadd.s32 $0xFFFF0000  }
.LBB2_1:
0x1e: {  	[dreg:$0x7] =	wrdreg s1  }
0x1f: {  	s0 =	simm.s32 $0x0;
	s31 =	rddreg [dreg:$0x4]  }
0x20: {  	[tilespmem:s0], [sflag:$0x3] =	stream.linear.gather [hbm4b:s31+s0], $0x2800, $0x38;
	[tilespmem:$0x1F000] =	vst v63  }
0x21: {  	_ =	swait.ge [sflag:s2], $0x2800  }
0x22: {  	[sflag:s2] =	ssyncset.done $0x0  }
0x23: {  	s0 =	simm.s32 $0x0;
	[sflag:s2] =	ssyncadd.s32 $0xFFFFD800  }
0x24: {  	v1 =	vld [tilespmem:s0+$0x0]  }
0x25: {  	s1 =	simm.s32 $0x40  }
.LBB2_2:
0x26: {  	p0 =	sne.s32 s1, $0x9FC0  }
.Ltmp2:
0x27: {  	_ = 	snop;
	(pc) =	sbr.rel @p0 .LBB2_2-.Ltmp2, $4  }
0x28: {  	_ = 	snop  }
0x29: {  	s2 =	sshra.s32 s1, $0x2;
	s1 =	sadd.s32 $0x40, s1;
	v2 =	vadd.s32 v0, v1  }
0x2a: {  	v1 =	vld [tilespmem:s2+$0x0];
	v2 =	vshrl.u32 v2, $0x1  }
0x2b: {  	[tilespmem:s0+$0x2800] =	vst v2;
	s0 =	smov.u32 s2  }
0x2c: {  	_ =	sdelay $0x2  }
0x2d: {  	s28 =	rddreg [dreg:$0x3];
	s1 =	simm.s32 $0xA0;
	s2 =	simm.s32 $0x2800;
	v1 =	vadd.s32 v0, v1  }
0x2e: {  	s3 =	simm.s32 $0x5000;
	s29 =	simm.s32 $0x28A0;
	s30 =	simm.s32 $0xA000;
	v1 =	vshrl.u32 v1, $0x1  }
0x2f: {  	s19 =	simm.s32 $0x0;
	s26 =	simm.s32 $0xF020;
	s31 =	simm.s32 $0xF430;
	[tilespmem:s0+$0x2800] =	vst v1  }
0x30: {  	[tilespmem:s3], [sflag:$0x1] =	stream.indirect.gather [hbm4b:s28+s1], $0x80, s2, s1, $0xb8;
	[tilespmem:$0x1F000] =	vst v63  }
0x31: {  	s25 =	simm.s32 $0x4;
	s23 =	simm.s32 $0xA4;
	[dreg:$0xa] =	wrdreg s31  }
0x32: {  	[tilespmem:s30], [sflag:$0x2] =	stream.indirect.gather [hbm4b:s28+s1], $0x80, s29, s1, $0xb8;
	[tilespmem:$0x1F000] =	vst v63  }
.LBB2_4:
0x33: {  	s0 =	simm.s32 $0x1  }
0x34: {  	_ =	swait.ge [sflag:s0], $0x5000  }
0x35: {  	s24 =	smul.u32 $0x500, s19;
	[dreg:$0x9] =	wrdreg s25;
	[sflag:s0] =	ssyncset.done $0x0  }
0x36: {  	s28 =	simm.s32 $0x0;
	[dreg:$0x8] =	wrdreg s26;
	[sflag:s0] =	ssyncadd.s32 $0xFFFFB000  }
.LBB2_5:
0x37: {  	v1 =	vld [tilespmem:s25+$0xFFFFFFFC];
	_ =	sdelay $0x4  }
0x38: {  	(v2sf) =	vpush v1, $0x0  }
0x39: {  	(v2sf) =	vpush v1, $0x1  }
0x3a: {  	(v2sf) =	vpush v1, $0x2  }
0x3b: {  	(v2sf) =	vpush v1, $0x3  }
0x3c: {  	(v2sf) =	vpush v1, $0x4  }
0x3d: {  	(v2sf) =	vpush v1, $0x5;
	_ =	sdelay $0x1  }
0x3e: {  	(v2sf) =	vpush v1, $0x6;
	_ =	sdelay $0x1  }
0x3f: {  	(v2sf) =	vpush v1, $0x7  }
0x40: {  	(v2sf) =	vpush v1, $0x8;
	_ =	sdelay $0x1  }
0x41: {  	(v2sf) =	vpush v1, $0x9  }
0x42: {  	(v2sf) =	vpush v1, $0xA  }
0x43: {  	(v2sf) =	vpush v1, $0xB  }
0x44: {  	(v2sf) =	vpush v1, $0xC;
	s0 =	spop (v2sf)  }
0x45: {  	(v2sf) =	vpush v1, $0xD;
	s1 =	spop (v2sf);
	s6 =	sshrl.u32 s0, $0x1F  }
0x46: {  	(v2sf) =	vpush v1, $0xE;
	s2 =	spop (v2sf);
	s6 =	sadd.s32 s6, s0;
	s30 =	sshrl.u32 s1, $0x1F  }
0x47: {  	(v2sf) =	vpush v1, $0xF;
	s3 =	spop (v2sf);
	s6 =	sand.u32 $0xFFFFFFFE, s6;
	s15 =	sshrl.u32 s2, $0x1F  }
0x48: {  	v2 =	vld [tilespmem:s25+$0x0];
	s10 =	spop (v2sf);
	s6 =	ssub.s32 s0, s6;
	s0 =	sadd.s32 s30, s1  }
0x49: {  	s15 =	sadd.s32 s15, s2;
	s29 =	sshrl.u32 s3, $0x1F;
	s11 =	spop (v2sf)  }
0x4a: {  	s0 =	sand.u32 $0xFFFFFFFE, s0;
	s15 =	sand.u32 $0xFFFFFFFE, s15;
	s20 =	sadd.s32 s29, s3  }
0x4b: {  	s12 =	spop (v2sf);
	s29 =	ssub.s32 s1, s0;
	s30 =	ssub.s32 s2, s15  }
0x4c: {  	s2 =	sand.u32 $0xFFFFFFFE, s20;
	s15 =	sshrl.u32 s10, $0x1F;
	s20 =	sshrl.u32 s11, $0x1F  }
0x4d: {  	(v2sf) =	vpush v2, $0xC;
	s13 =	spop (v2sf);
	s1 =	ssub.s32 s3, s2;
	s0 =	sadd.s32 s15, s10  }
0x4e: {  	(v2sf) =	vpush v2, $0xD;
	s2 =	sadd.s32 s20, s11;
	s21 =	sshrl.u32 s12, $0x1F;
	s14 =	spop (v2sf)  }
0x4f: {  	s0 =	sand.u32 $0xFFFFFFFE, s0;
	s2 =	sand.u32 $0xFFFFFFFE, s2;
	s22 =	sadd.s32 s21, s12  }
0x50: {  	(v2sf) =	vpush v2, $0xE;
	s20 =	sshrl.u32 s13, $0x1F;
	s16 =	spop (v2sf);
	s3 =	ssub.s32 s10, s0  }
0x51: {  	s10 =	ssub.s32 s11, s2;
	s15 =	sand.u32 $0xFFFFFFFE, s22;
	s17 =	spop (v2sf)  }
0x52: {  	s21 =	sshrl.u32 s14, $0x1F;
	s2 =	sadd.s32 s20, s13;
	s18 =	spop (v2sf)  }
0x53: {  	s0 =	ssub.s32 s12, s15;
	s11 =	sadd.s32 s21, s14;
	s31 =	spop (v2sf)  }
0x54: {  	s2 =	sand.u32 $0xFFFFFFFE, s2;
	s21 =	sshrl.u32 s16, $0x1F;
	s5 =	spop (v2sf)  }
0x55: {  	s22 =	sand.u32 $0xFFFFFFFE, s11;
	s11 =	ssub.s32 s13, s2;
	s9 =	spop (v2sf)  }
0x56: {  	s15 =	ssub.s32 s14, s22;
	s14 =	sadd.s32 s21, s16;
	s8 =	spop (v2sf);
	(v2sf) =	vpush v2, $0xF  }
0x57: {  	s21 =	sshrl.u32 s17, $0x1F;
	s22 =	sshrl.u32 s18, $0x1F;
	s2 =	sand.u32 $0xFFFFFFFE, s14  }
0x58: {  	s13 =	sadd.s32 s21, s17;
	s14 =	sadd.s32 s22, s18;
	s12 =	ssub.s32 s16, s2  }
0x59: {  	s2 =	sand.u32 $0xFFFFFFFE, s13;
	s13 =	sand.u32 $0xFFFFFFFE, s14;
	s16 =	sshrl.u32 s31, $0x1F  }
0x5a: {  	s21 =	sshrl.u32 s5, $0x1F;
	s2 =	ssub.s32 s17, s2;
	s17 =	ssub.s32 s18, s13  }
0x5b: {  	s18 =	sadd.s32 s16, s31;
	s22 =	sshrl.u32 s9, $0x1F;
	s21 =	sadd.s32 s21, s5  }
0x5c: {  	s4 =	spop (v2sf);
	s13 =	sand.u32 $0xFFFFFFFE, s18;
	s22 =	sadd.s32 s22, s9  }
0x5d: {  	s7 =	spop (v2sf);
	s16 =	ssub.s32 s31, s13;
	s13 =	sand.u32 $0xFFFFFFFE, s21  }
0x5e: {  	s14 =	sand.u32 $0xFFFFFFFE, s22;
	s31 =	sshrl.u32 s8, $0x1F;
	s22 =	sshrl.u32 s4, $0x1F  }
0x5f: {  	s20 =	spop (v2sf);
	s5 =	ssub.s32 s5, s13;
	s21 =	sadd.s32 s31, s8  }
0x60: {  	s13 =	ssub.s32 s9, s14;
	s31 =	sshrl.u32 s7, $0x1F;
	s9 =	sand.u32 $0xFFFFFFFE, s21  }
0x61: {  	s21 =	sadd.s32 s22, s4;
	s22 =	sadd.s32 s31, s7;
	s31 =	sshrl.u32 s20, $0x1F  }
0x62: {  	s8 =	ssub.s32 s8, s9;
	s9 =	sand.u32 $0xFFFFFFFE, s21;
	s14 =	sand.u32 $0xFFFFFFFE, s22  }
0x63: {  	s21 =	sadd.s32 s31, s20;
	s22 =	sshll.u32 s6, $0x8;
	s6 =	sand.u32 $0x1, s6  }
0x64: {  	s4 =	ssub.s32 s4, s9;
	s9 =	ssub.s32 s7, s14;
	s18 =	sand.u32 $0xFFFFFE00, s22  }
0x65: {  	s6 =	sshll.u32 s6, $0x8;
	s14 =	sand.u32 $0xFFFFFFFE, s21;
	s7 =	spop (v2sf)  }
0x66: {  	s22 =	sshll.u32 s29, $0x8;
	s6 =	sor.u32 s6, s18;
	s31 =	sshrl.u32 s7, $0x1F  }
0x67: {  	s18 =	ssub.s32 s20, s14;
	s21 =	sadd.s32 s31, s7;
	s31 =	sand.u32 $0x1, s29  }
0x68: {  	s14 =	sand.u32 $0xFFFFFFFE, s21;
	s21 =	sshra.s32 s6, $0x2;
	s6 =	sshra.s32 s28, $0x2  }
0x69: {  	s22 =	sand.u32 $0xFFFFFE00, s22;
	s31 =	sshll.u32 s31, $0x8;
	s29 =	sadd.s32 s6, s21  }
0x6a: {  	s20 =	sor.u32 s31, s22;
	s22 =	sshll.u32 s30, $0x8;
	s30 =	sand.u32 $0x1, s30  }
0x6b: {  	s31 =	sshll.u32 s1, $0x8;
	s1 =	sand.u32 $0x1, s1;
	s14 =	ssub.s32 s7, s14  }
0x6c: {  	s20 =	sshra.s32 s20, $0x2;
	s21 =	sand.u32 $0xFFFFFE00, s22;
	s30 =	sshll.u32 s30, $0x8  }
0x6d: {  	s22 =	sand.u32 $0xFFFFFE00, s31;
	s1 =	sshll.u32 s1, $0x8;
	s21 =	sor.u32 s30, s21  }
0x6e: {  	s30 =	sadd.s32 s6, s20;
	s1 =	sor.u32 s1, s22;
	s22 =	sshll.u32 s3, $0x8  }
0x6f: {  	s3 =	sand.u32 $0x1, s3;
	s21 =	sshra.s32 s21, $0x2;
	s1 =	sshra.s32 s1, $0x2  }
0x70: {  	s20 =	sand.u32 $0xFFFFFE00, s22;
	s3 =	sshll.u32 s3, $0x8;
	s22 =	sshll.u32 s0, $0x8  }
0x71: {  	s0 =	sand.u32 $0x1, s0;
	s31 =	sadd.s32 s6, s21;
	s1 =	sadd.s32 s6, s1  }
0x72: {  	v1 =	vld [tilespmem:s29+$0x5000];
	s3 =	sor.u32 s3, s20;
	s21 =	sshll.u32 s10, $0x8;
	s10 =	sand.u32 $0x1, s10  }
0x73: {  	v2 =	vld [tilespmem:s30+$0x5080];
	s3 =	sshra.s32 s3, $0x2;
	s20 =	sand.u32 $0xFFFFFE00, s21;
	s10 =	sshll.u32 s10, $0x8  }
0x74: {  	s10 =	sor.u32 s10, s20;
	s20 =	sand.u32 $0xFFFFFE00, s22;
	s22 =	sshll.u32 s0, $0x8  }
0x75: {  	v3 =	vld [tilespmem:s31+$0x5100];
	s21 =	sshra.s32 s10, $0x2;
	s10 =	sadd.s32 s6, s3;
	s20 =	sor.u32 s22, s20  }
0x76: {  	s22 =	sand.u32 $0x1, s11;
	s0 =	sadd.s32 s6, s21;
	s3 =	sshra.s32 s20, $0x2  }
0x77: {  	v4 =	vld [tilespmem:s1+$0x5180];
	s21 =	sshll.u32 s11, $0x8;
	s22 =	sshll.u32 s22, $0x8;
	s11 =	sadd.s32 s6, s3  }
0x78: {  	v1 =	vadd.f32 v2, v1;
	s20 =	sand.u32 $0xFFFFFE00, s21;
	s21 =	sshll.u32 s15, $0x8;
	s15 =	sand.u32 $0x1, s15  }
0x79: {  	v2 =	vld [tilespmem:s10+$0x5200];
	s3 =	sor.u32 s22, s20;
	s20 =	sand.u32 $0xFFFFFE00, s21;
	s15 =	sshll.u32 s15, $0x8  }
0x7a: {  	v1 =	vadd.f32 v3, v1;
	s22 =	sshll.u32 s12, $0x8;
	s12 =	sand.u32 $0x1, s12;
	s3 =	sshra.s32 s3, $0x2  }
0x7b: {  	v3 =	vld [tilespmem:s0+$0x5280];
	s15 =	sor.u32 s15, s20;
	s20 =	sand.u32 $0xFFFFFE00, s22;
	s22 =	sshll.u32 s12, $0x8  }
0x7c: {  	s21 =	sshra.s32 s15, $0x2;
	v1 =	vadd.f32 v4, v1;
	s15 =	sadd.s32 s6, s3;
	s20 =	sor.u32 s22, s20  }
0x7d: {  	v41 =	vld [tilespmem:s11+$0x5300];
	s22 =	sand.u32 $0x1, s2;
	s12 =	sadd.s32 s6, s21;
	s3 =	sshra.s32 s20, $0x2  }
0x7e: {  	s21 =	sshll.u32 s2, $0x8;
	s22 =	sshll.u32 s22, $0x8;
	v1 =	vadd.f32 v2, v1;
	s2 =	sadd.s32 s6, s3  }
0x7f: {  	s20 =	sand.u32 $0xFFFFFE00, s21;
	v2 =	vld [tilespmem:s15+$0x5380];
	s21 =	sshll.u32 s17, $0x8;
	s17 =	sand.u32 $0x1, s17  }
0x80: {  	s3 =	sor.u32 s22, s20;
	s20 =	sand.u32 $0xFFFFFE00, s21;
	s17 =	sshll.u32 s17, $0x8;
	v1 =	vadd.f32 v3, v1  }
0x81: {  	s22 =	sshll.u32 s16, $0x8;
	s16 =	sand.u32 $0x1, s16;
	s3 =	sshra.s32 s3, $0x2;
	v3 =	vld [tilespmem:s12+$0x5400]  }
0x82: {  	s17 =	sor.u32 s17, s20;
	s20 =	sand.u32 $0xFFFFFE00, s22;
	s22 =	sshll.u32 s16, $0x8;
	v1 =	vadd.f32 v41, v1  }
0x83: {  	v42 =	vld [tilespmem:s2+$0x5480];
	s21 =	sshra.s32 s17, $0x2;
	s17 =	sadd.s32 s6, s3;
	s20 =	sor.u32 s22, s20  }
0x84: {  	s22 =	sand.u32 $0x1, s5;
	s16 =	sadd.s32 s6, s21;
	s3 =	sshra.s32 s20, $0x2;
	v1 =	vadd.f32 v2, v1  }
0x85: {  	s21 =	sshll.u32 s5, $0x8;
	s22 =	sshll.u32 s22, $0x8;
	s5 =	sadd.s32 s6, s3;
	v2 =	vld [tilespmem:s17+$0x5500]  }
0x86: {  	s20 =	sand.u32 $0xFFFFFE00, s21;
	s21 =	sshll.u32 s13, $0x8;
	s13 =	sand.u32 $0x1, s13;
	v1 =	vadd.f32 v3, v1  }
0x87: {  	s3 =	sor.u32 s22, s20;
	s20 =	sand.u32 $0xFFFFFE00, s21;
	s13 =	sshll.u32 s13, $0x8;
	v3 =	vld [tilespmem:s16+$0x5580]  }
0x88: {  	s22 =	sshll.u32 s8, $0x8;
	s8 =	sand.u32 $0x1, s8;
	s3 =	sshra.s32 s3, $0x2;
	v1 =	vadd.f32 v42, v1  }
0x89: {  	v43 =	vld [tilespmem:s5+$0x5600];
	s13 =	sor.u32 s13, s20;
	s20 =	sand.u32 $0xFFFFFE00, s22;
	s22 =	sshll.u32 s8, $0x8  }
0x8a: {  	s21 =	sshra.s32 s13, $0x2;
	s13 =	sadd.s32 s6, s3;
	s20 =	sor.u32 s22, s20;
	v1 =	vadd.f32 v2, v1  }
0x8b: {  	s8 =	sadd.s32 s6, s21;
	s3 =	sshra.s32 s20, $0x2;
	s21 =	sshll.u32 s4, $0x8;
	v2 =	vld [tilespmem:s13+$0x5680]  }
0x8c: {  	s22 =	sand.u32 $0x1, s4;
	s4 =	sadd.s32 s6, s3;
	s20 =	sand.u32 $0xFFFFFE00, s21;
	v1 =	vadd.f32 v3, v1  }
0x8d: {  	s21 =	sshll.u32 s22, $0x8;
	s22 =	sshll.u32 s9, $0x8;
	s9 =	sand.u32 $0x1, s9;
	v3 =	vld [tilespmem:s8+$0x5700]  }
0x8e: {  	s3 =	sor.u32 s21, s20;
	s20 =	sand.u32 $0xFFFFFE00, s22;
	s9 =	sshll.u32 s9, $0x8;
	v1 =	vadd.f32 v43, v1  }
0x8f: {  	v44 =	vld [tilespmem:s4+$0x5780];
	s22 =	sshll.u32 s18, $0x8;
	s18 =	sand.u32 $0x1, s18;
	s3 =	sshra.s32 s3, $0x2  }
0x90: {  	s21 =	sor.u32 s9, s20;
	s18 =	sshll.u32 s18, $0x8;
	s7 =	sadd.s32 s6, s3;
	v1 =	vadd.f32 v2, v1  }
0x91: {  	s3 =	sshra.s32 s21, $0x2;
	s21 =	sand.u32 $0xFFFFFE00, s22;
	s22 =	sshll.u32 s14, $0x8;
	v2 =	vld [tilespmem:s7+$0x5800]  }
0x92: {  	s14 =	sand.u32 $0x1, s14;
	s9 =	sadd.s32 s6, s3;
	s3 =	sor.u32 s18, s21;
	v1 =	vadd.f32 v3, v1  }
0x93: {  	s18 =	sand.u32 $0xFFFFFE00, s22;
	s14 =	sshll.u32 s14, $0x8;
	s3 =	sshra.s32 s3, $0x2;
	v3 =	vld [tilespmem:s9+$0x5880]  }
0x94: {  	s22 =	sor.u32 s14, s18;
	s21 =	sadd.s32 s6, s3;
	v1 =	vadd.f32 v44, v1  }
0x95: {  	s3 =	sshra.s32 s22, $0x2;
	v45 =	vld [tilespmem:s21+$0x5900]  }
0x96: {  	s6 =	sadd.s32 s6, s3;
	v1 =	vadd.f32 v2, v1  }
0x97: {  	v2 =	vld [tilespmem:s6+$0x5980]  }
0x98: {  	v1 =	vadd.f32 v3, v1;
	_ =	sdelay $0x1  }
0x99: {  	v1 =	vadd.f32 v45, v1;
	_ =	sdelay $0x1  }
0x9a: {  	v1 =	vadd.f32 v2, v1;
	_ =	sdelay $0x1  }
0x9b: {  	[tilespmem:s26+$0xFFFFFFE0] =	vst v1  }
0x9c: {  	v1 =	vld [tilespmem:s29+$0x5010]  }
0x9d: {  	v2 =	vld [tilespmem:s30+$0x5090];
	_ =	sdelay $0x1  }
0x9e: {  	v3 =	vld [tilespmem:s31+$0x5110];
	_ =	sdelay $0x1  }
0x9f: {  	v46 =	vld [tilespmem:s1+$0x5190]  }
0xa0: {  	v1 =	vadd.f32 v2, v1  }
0xa1: {  	v2 =	vld [tilespmem:s10+$0x5210]  }
0xa2: {  	v1 =	vadd.f32 v3, v1  }
0xa3: {  	v3 =	vld [tilespmem:s0+$0x5290]  }
0xa4: {  	v1 =	vadd.f32 v46, v1  }
0xa5: {  	v47 =	vld [tilespmem:s11+$0x5310]  }
0xa6: {  	v1 =	vadd.f32 v2, v1  }
0xa7: {  	v2 =	vld [tilespmem:s15+$0x5390]  }
0xa8: {  	v1 =	vadd.f32 v3, v1  }
0xa9: {  	v3 =	vld [tilespmem:s12+$0x5410]  }
0xaa: {  	v1 =	vadd.f32 v47, v1  }
0xab: {  	v48 =	vld [tilespmem:s2+$0x5490]  }
0xac: {  	v1 =	vadd.f32 v2, v1  }
0xad: {  	v2 =	vld [tilespmem:s17+$0x5510]  }
0xae: {  	v1 =	vadd.f32 v3, v1  }
0xaf: {  	v3 =	vld [tilespmem:s16+$0x5590]  }
0xb0: {  	v1 =	vadd.f32 v48, v1  }
0xb1: {  	v49 =	vld [tilespmem:s5+$0x5610]  }
0xb2: {  	v1 =	vadd.f32 v2, v1  }
0xb3: {  	v2 =	vld [tilespmem:s13+$0x5690]  }
0xb4: {  	v1 =	vadd.f32 v3, v1  }
0xb5: {  	v3 =	vld [tilespmem:s8+$0x5710]  }
0xb6: {  	v1 =	vadd.f32 v49, v1  }
0xb7: {  	v50 =	vld [tilespmem:s4+$0x5790]  }
0xb8: {  	v1 =	vadd.f32 v2, v1  }
0xb9: {  	v2 =	vld [tilespmem:s7+$0x5810]  }
0xba: {  	v1 =	vadd.f32 v3, v1  }
0xbb: {  	v3 =	vld [tilespmem:s9+$0x5890]  }
0xbc: {  	v1 =	vadd.f32 v50, v1  }
0xbd: {  	v51 =	vld [tilespmem:s21+$0x5910]  }
0xbe: {  	v1 =	vadd.f32 v2, v1  }
0xbf: {  	v2 =	vld [tilespmem:s6+$0x5990]  }
0xc0: {  	v1 =	vadd.f32 v3, v1;
	_ =	sdelay $0x1  }
0xc1: {  	v1 =	vadd.f32 v51, v1;
	_ =	sdelay $0x1  }
0xc2: {  	v1 =	vadd.f32 v2, v1;
	_ =	sdelay $0x1  }
0xc3: {  	[tilespmem:s26+$0xFFFFFFF0] =	vst v1  }
0xc4: {  	v1 =	vld [tilespmem:s29+$0x5020]  }
0xc5: {  	v2 =	vld [tilespmem:s30+$0x50A0];
	_ =	sdelay $0x1  }
0xc6: {  	v3 =	vld [tilespmem:s31+$0x5120];
	_ =	sdelay $0x1  }
0xc7: {  	v52 =	vld [tilespmem:s1+$0x51A0]  }
0xc8: {  	v1 =	vadd.f32 v2, v1  }
0xc9: {  	v2 =	vld [tilespmem:s10+$0x5220]  }
0xca: {  	v1 =	vadd.f32 v3, v1  }
0xcb: {  	v3 =	vld [tilespmem:s0+$0x52A0]  }
0xcc: {  	v1 =	vadd.f32 v52, v1  }
0xcd: {  	v53 =	vld [tilespmem:s11+$0x5320]  }
0xce: {  	v1 =	vadd.f32 v2, v1  }
0xcf: {  	v2 =	vld [tilespmem:s15+$0x53A0]  }
0xd0: {  	v1 =	vadd.f32 v3, v1  }
0xd1: {  	v3 =	vld [tilespmem:s12+$0x5420]  }
0xd2: {  	v1 =	vadd.f32 v53, v1  }
0xd3: {  	v54 =	vld [tilespmem:s2+$0x54A0]  }
0xd4: {  	v1 =	vadd.f32 v2, v1  }
0xd5: {  	v2 =	vld [tilespmem:s17+$0x5520]  }
0xd6: {  	v1 =	vadd.f32 v3, v1  }
0xd7: {  	v3 =	vld [tilespmem:s16+$0x55A0]  }
0xd8: {  	v1 =	vadd.f32 v54, v1  }
0xd9: {  	v55 =	vld [tilespmem:s5+$0x5620]  }
0xda: {  	v1 =	vadd.f32 v2, v1  }
0xdb: {  	v2 =	vld [tilespmem:s13+$0x56A0]  }
0xdc: {  	v1 =	vadd.f32 v3, v1  }
0xdd: {  	v3 =	vld [tilespmem:s8+$0x5720]  }
0xde: {  	v1 =	vadd.f32 v55, v1  }
0xdf: {  	v56 =	vld [tilespmem:s4+$0x57A0]  }
0xe0: {  	v1 =	vadd.f32 v2, v1  }
0xe1: {  	v2 =	vld [tilespmem:s7+$0x5820]  }
0xe2: {  	v1 =	vadd.f32 v3, v1  }
0xe3: {  	v3 =	vld [tilespmem:s9+$0x58A0]  }
0xe4: {  	v1 =	vadd.f32 v56, v1  }
0xe5: {  	v57 =	vld [tilespmem:s21+$0x5920]  }
0xe6: {  	v1 =	vadd.f32 v2, v1  }
0xe7: {  	v2 =	vld [tilespmem:s6+$0x59A0]  }
0xe8: {  	v1 =	vadd.f32 v3, v1;
	_ =	sdelay $0x1  }
0xe9: {  	v1 =	vadd.f32 v57, v1;
	_ =	sdelay $0x1  }
0xea: {  	v1 =	vadd.f32 v2, v1;
	_ =	sdelay $0x1  }
0xeb: {  	[tilespmem:s26+$0x0] =	vst v1  }
0xec: {  	v1 =	vld [tilespmem:s29+$0x5030]  }
0xed: {  	v2 =	vld [tilespmem:s30+$0x50B0];
	_ =	sdelay $0x1  }
0xee: {  	v3 =	vld [tilespmem:s31+$0x5130];
	_ =	sdelay $0x1  }
0xef: {  	v58 =	vld [tilespmem:s1+$0x51B0]  }
0xf0: {  	v1 =	vadd.f32 v2, v1  }
0xf1: {  	v2 =	vld [tilespmem:s10+$0x5230]  }
0xf2: {  	v1 =	vadd.f32 v3, v1  }
0xf3: {  	v3 =	vld [tilespmem:s0+$0x52B0]  }
0xf4: {  	v1 =	vadd.f32 v58, v1  }
0xf5: {  	v59 =	vld [tilespmem:s11+$0x5330]  }
0xf6: {  	v1 =	vadd.f32 v2, v1  }
0xf7: {  	v2 =	vld [tilespmem:s15+$0x53B0]  }
0xf8: {  	v1 =	vadd.f32 v3, v1  }
0xf9: {  	v3 =	vld [tilespmem:s12+$0x5430]  }
0xfa: {  	v1 =	vadd.f32 v59, v1  }
0xfb: {  	v60 =	vld [tilespmem:s2+$0x54B0]  }
0xfc: {  	v1 =	vadd.f32 v2, v1  }
0xfd: {  	v2 =	vld [tilespmem:s17+$0x5530]  }
0xfe: {  	v1 =	vadd.f32 v3, v1  }
0xff: {  	v3 =	vld [tilespmem:s16+$0x55B0]  }
0x100: {  	v1 =	vadd.f32 v60, v1  }
0x101: {  	v61 =	vld [tilespmem:s5+$0x5630]  }
0x102: {  	v1 =	vadd.f32 v2, v1  }
0x103: {  	v2 =	vld [tilespmem:s13+$0x56B0]  }
0x104: {  	v1 =	vadd.f32 v3, v1  }
0x105: {  	v3 =	vld [tilespmem:s8+$0x5730]  }
0x106: {  	v1 =	vadd.f32 v61, v1  }
0x107: {  	v62 =	vld [tilespmem:s4+$0x57B0]  }
0x108: {  	v1 =	vadd.f32 v2, v1  }
0x109: {  	v2 =	vld [tilespmem:s7+$0x5830]  }
0x10a: {  	v1 =	vadd.f32 v3, v1  }
0x10b: {  	v3 =	vld [tilespmem:s9+$0x58B0]  }
0x10c: {  	v1 =	vadd.f32 v62, v1  }
0x10d: {  	v63 =	vld [tilespmem:s21+$0x5930]  }
0x10e: {  	v1 =	vadd.f32 v2, v1  }
0x10f: {  	v2 =	vld [tilespmem:s6+$0x59B0]  }
0x110: {  	v1 =	vadd.f32 v3, v1  }
0x111: {  	p0 =	sne.s32 s28, $0x11800  }
.Ltmp3:
0x112: {  	v1 =	vadd.f32 v63, v1;
	(pc) =	sbr.rel @p0 .LBB2_5-.Ltmp3, $3  }
0x113: {  	_ = 	snop  }
0x114: {  	v1 =	vadd.f32 v2, v1;
	_ =	sdelay $0x1  }
0x115: {  	s25 =	sadd.s32 $0x14, s25;
	s28 =	sadd.s32 $0x2800, s28;
	[tilespmem:s26+$0x10] =	vst v1;
	s26 =	sadd.s32 $0x80, s26  }
0x116: {  	p0 =	seq.s32 s19, $0x1F  }
0x117: {  	s3 =	rddreg [dreg:$0x3];
	s31 =	simm.s32 $0x2;
	s0 =	sshra.s32 @!p0 s24, $0x2  }
0x118: {  	s1 =	simm.s32 @!p0 $0xA0;
	s2 =	simm.s32 @!p0 $0x5000;
	s0 =	sadd.s32 @!p0 $0x2940, s0  }
0x119: {  	[tilespmem:s2], [sflag:$0x1] =	stream.indirect.gather @!p0 [hbm4b:s3+s1], $0x80, s0, s1, $0xb8;
	[tilespmem:$0x1F000] =	vst v63  }
0x11a: {  	_ =	swait.ge [sflag:s31], $0x5000  }
0x11b: {  	s25 =	simm.s32 $0x0;
	[sflag:s31] =	ssyncset.done $0x0  }
0x11c: {  	s26 =	smov.u32 s23;
	s28 =	rddreg [dreg:$0xa];
	[sflag:s31] =	ssyncadd.s32 $0xFFFFB000  }
.LBB2_7:
0x11d: {  	v1 =	vld [tilespmem:s26+$0xFFFFFFFC];
	_ =	sdelay $0x4  }
0x11e: {  	(v2sf) =	vpush v1, $0x0  }
0x11f: {  	(v2sf) =	vpush v1, $0x1  }
0x120: {  	(v2sf) =	vpush v1, $0x2  }
0x121: {  	(v2sf) =	vpush v1, $0x3  }
0x122: {  	(v2sf) =	vpush v1, $0x4  }
0x123: {  	(v2sf) =	vpush v1, $0x5;
	_ =	sdelay $0x1  }
0x124: {  	(v2sf) =	vpush v1, $0x6;
	_ =	sdelay $0x1  }
0x125: {  	(v2sf) =	vpush v1, $0x7  }
0x126: {  	(v2sf) =	vpush v1, $0x8;
	_ =	sdelay $0x1  }
0x127: {  	(v2sf) =	vpush v1, $0x9;
	_ =	sdelay $0x1  }
0x128: {  	(v2sf) =	vpush v1, $0xA  }
0x129: {  	(v2sf) =	vpush v1, $0xB;
	s0 =	spop (v2sf)  }
0x12a: {  	(v2sf) =	vpush v1, $0xC;
	s1 =	spop (v2sf);
	s6 =	sshrl.u32 s0, $0x1F  }
0x12b: {  	(v2sf) =	vpush v1, $0xD;
	s2 =	spop (v2sf);
	s6 =	sadd.s32 s6, s0;
	s31 =	sshrl.u32 s1, $0x1F  }
0x12c: {  	v2 =	vld [tilespmem:s26+$0x0];
	(v2sf) =	vpush v1, $0xE;
	s3 =	spop (v2sf);
	s6 =	sand.u32 $0xFFFFFFFE, s6;
	s15 =	sshrl.u32 s2, $0x1F  }
0x12d: {  	(v2sf) =	vpush v1, $0xF;
	s10 =	spop (v2sf);
	s6 =	ssub.s32 s0, s6;
	s0 =	sadd.s32 s31, s1  }
0x12e: {  	s15 =	sadd.s32 s15, s2;
	s21 =	sshrl.u32 s3, $0x1F;
	s11 =	spop (v2sf)  }
0x12f: {  	s0 =	sand.u32 $0xFFFFFFFE, s0;
	s15 =	sand.u32 $0xFFFFFFFE, s15;
	s21 =	sadd.s32 s21, s3  }
0x130: {  	s12 =	spop (v2sf);
	s29 =	ssub.s32 s1, s0;
	s30 =	ssub.s32 s2, s15  }
0x131: {  	(v2sf) =	vpush v2, $0xC;
	s2 =	sand.u32 $0xFFFFFFFE, s21;
	s15 =	sshrl.u32 s10, $0x1F;
	s21 =	sshrl.u32 s11, $0x1F  }
0x132: {  	(v2sf) =	vpush v2, $0xD;
	s13 =	spop (v2sf);
	s1 =	ssub.s32 s3, s2;
	s0 =	sadd.s32 s15, s10  }
0x133: {  	s2 =	sadd.s32 s21, s11;
	s22 =	sshrl.u32 s12, $0x1F;
	s14 =	spop (v2sf)  }
0x134: {  	(v2sf) =	vpush v2, $0xE;
	s0 =	sand.u32 $0xFFFFFFFE, s0;
	s2 =	sand.u32 $0xFFFFFFFE, s2;
	s31 =	sadd.s32 s22, s12  }
0x135: {  	s21 =	sshrl.u32 s13, $0x1F;
	s16 =	spop (v2sf);
	s3 =	ssub.s32 s10, s0  }
0x136: {  	s10 =	ssub.s32 s11, s2;
	s15 =	sand.u32 $0xFFFFFFFE, s31;
	s22 =	sshrl.u32 s14, $0x1F  }
0x137: {  	s2 =	sadd.s32 s21, s13;
	s17 =	spop (v2sf);
	s0 =	ssub.s32 s12, s15  }
0x138: {  	s11 =	sadd.s32 s22, s14;
	s2 =	sand.u32 $0xFFFFFFFE, s2;
	s18 =	spop (v2sf)  }
0x139: {  	s22 =	sshrl.u32 s16, $0x1F;
	s31 =	sand.u32 $0xFFFFFFFE, s11;
	s20 =	spop (v2sf)  }
0x13a: {  	s11 =	ssub.s32 s13, s2;
	s15 =	ssub.s32 s14, s31;
	s5 =	spop (v2sf)  }
0x13b: {  	s14 =	sadd.s32 s22, s16;
	s22 =	sshrl.u32 s17, $0x1F;
	s9 =	spop (v2sf)  }
0x13c: {  	s31 =	sshrl.u32 s18, $0x1F;
	s2 =	sand.u32 $0xFFFFFFFE, s14;
	s8 =	spop (v2sf);
	(v2sf) =	vpush v2, $0xF  }
0x13d: {  	s13 =	sadd.s32 s22, s17;
	s14 =	sadd.s32 s31, s18;
	s12 =	ssub.s32 s16, s2  }
0x13e: {  	s2 =	sand.u32 $0xFFFFFFFE, s13;
	s13 =	sand.u32 $0xFFFFFFFE, s14;
	s16 =	sshrl.u32 s20, $0x1F  }
0x13f: {  	s2 =	ssub.s32 s17, s2;
	s17 =	ssub.s32 s18, s13;
	s18 =	sadd.s32 s16, s20  }
0x140: {  	s22 =	sshrl.u32 s5, $0x1F;
	s4 =	spop (v2sf);
	s13 =	sand.u32 $0xFFFFFFFE, s18  }
0x141: {  	s31 =	sshrl.u32 s9, $0x1F;
	s7 =	spop (v2sf);
	s16 =	ssub.s32 s20, s13  }
0x142: {  	s20 =	sadd.s32 s22, s5;
	s22 =	sadd.s32 s31, s9;
	s31 =	sshrl.u32 s8, $0x1F  }
0x143: {  	s21 =	spop (v2sf);
	s13 =	sand.u32 $0xFFFFFFFE, s20;
	s14 =	sand.u32 $0xFFFFFFFE, s22  }
0x144: {  	s20 =	sadd.s32 s31, s8;
	s22 =	sshrl.u32 s4, $0x1F;
	s31 =	sshrl.u32 s7, $0x1F  }
0x145: {  	s5 =	ssub.s32 s5, s13;
	s18 =	ssub.s32 s9, s14;
	s9 =	sand.u32 $0xFFFFFFFE, s20  }
0x146: {  	s20 =	sadd.s32 s22, s4;
	s22 =	sadd.s32 s31, s7;
	s31 =	sshrl.u32 s21, $0x1F  }
0x147: {  	s8 =	ssub.s32 s8, s9;
	s9 =	sand.u32 $0xFFFFFFFE, s20;
	s13 =	sand.u32 $0xFFFFFFFE, s22  }
0x148: {  	s20 =	sadd.s32 s31, s21;
	s22 =	sshll.u32 s6, $0x8;
	s6 =	sand.u32 $0x1, s6  }
0x149: {  	s4 =	ssub.s32 s4, s9;
	s9 =	ssub.s32 s7, s13;
	s14 =	sand.u32 $0xFFFFFE00, s22  }
0x14a: {  	s6 =	sshll.u32 s6, $0x8;
	s13 =	sand.u32 $0xFFFFFFFE, s20;
	s22 =	sshll.u32 s29, $0x8  }
0x14b: {  	s6 =	sor.u32 s6, s14;
	s13 =	ssub.s32 s21, s13;
	s7 =	spop (v2sf)  }
0x14c: {  	s21 =	sshra.s32 s6, $0x2;
	s6 =	sshra.s32 s25, $0x2;
	s31 =	sshrl.u32 s7, $0x1F  }
0x14d: {  	s20 =	sadd.s32 s31, s7;
	s31 =	sand.u32 $0x1, s29;
	s29 =	sadd.s32 s6, s21  }
0x14e: {  	s21 =	sand.u32 $0xFFFFFE00, s22;
	s22 =	sshll.u32 s30, $0x8;
	s31 =	sshll.u32 s31, $0x8  }
0x14f: {  	s30 =	sand.u32 $0x1, s30;
	s14 =	sand.u32 $0xFFFFFFFE, s20;
	s20 =	sor.u32 s31, s21  }
0x150: {  	s21 =	sand.u32 $0xFFFFFE00, s22;
	s22 =	sshll.u32 s30, $0x8;
	s31 =	sshll.u32 s1, $0x8  }
0x151: {  	s1 =	sand.u32 $0x1, s1;
	s14 =	ssub.s32 s7, s14;
	s20 =	sshra.s32 s20, $0x2  }
0x152: {  	s21 =	sor.u32 s22, s21;
	s22 =	sand.u32 $0xFFFFFE00, s31;
	s1 =	sshll.u32 s1, $0x8  }
0x153: {  	s21 =	sshra.s32 s21, $0x2;
	s30 =	sadd.s32 s6, s20;
	s1 =	sor.u32 s1, s22  }
0x154: {  	s22 =	sshll.u32 s3, $0x8;
	s3 =	sand.u32 $0x1, s3;
	s31 =	sadd.s32 s6, s21  }
0x155: {  	s1 =	sshra.s32 s1, $0x2;
	s20 =	sand.u32 $0xFFFFFE00, s22;
	s3 =	sshll.u32 s3, $0x8  }
0x156: {  	s21 =	sshll.u32 s10, $0x8;
	s10 =	sand.u32 $0x1, s10;
	s22 =	sshll.u32 s0, $0x8  }
0x157: {  	v1 =	vld [tilespmem:s29+$0xA000];
	s0 =	sand.u32 $0x1, s0;
	s1 =	sadd.s32 s6, s1;
	s3 =	sor.u32 s3, s20  }
0x158: {  	v2 =	vld [tilespmem:s30+$0xA080];
	s20 =	sand.u32 $0xFFFFFE00, s21;
	s10 =	sshll.u32 s10, $0x8;
	s3 =	sshra.s32 s3, $0x2  }
0x159: {  	s10 =	sor.u32 s10, s20;
	s20 =	sand.u32 $0xFFFFFE00, s22;
	s22 =	sshll.u32 s0, $0x8  }
0x15a: {  	v3 =	vld [tilespmem:s31+$0xA100];
	s21 =	sshra.s32 s10, $0x2;
	s10 =	sadd.s32 s6, s3;
	s20 =	sor.u32 s22, s20  }
0x15b: {  	s22 =	sand.u32 $0x1, s11;
	s0 =	sadd.s32 s6, s21;
	s3 =	sshra.s32 s20, $0x2  }
0x15c: {  	v4 =	vld [tilespmem:s1+$0xA180];
	s21 =	sshll.u32 s11, $0x8;
	s22 =	sshll.u32 s22, $0x8;
	s11 =	sadd.s32 s6, s3  }
0x15d: {  	s20 =	sand.u32 $0xFFFFFE00, s21;
	v1 =	vadd.f32 v2, v1;
	s21 =	sshll.u32 s15, $0x8;
	s15 =	sand.u32 $0x1, s15  }
0x15e: {  	v2 =	vld [tilespmem:s10+$0xA200];
	s3 =	sor.u32 s22, s20;
	s20 =	sand.u32 $0xFFFFFE00, s21;
	s15 =	sshll.u32 s15, $0x8  }
0x15f: {  	s22 =	sshll.u32 s12, $0x8;
	s12 =	sand.u32 $0x1, s12;
	s3 =	sshra.s32 s3, $0x2;
	v1 =	vadd.f32 v3, v1  }
0x160: {  	s15 =	sor.u32 s15, s20;
	v3 =	vld [tilespmem:s0+$0xA280];
	s20 =	sand.u32 $0xFFFFFE00, s22;
	s22 =	sshll.u32 s12, $0x8  }
0x161: {  	s21 =	sshra.s32 s15, $0x2;
	s15 =	sadd.s32 s6, s3;
	s20 =	sor.u32 s22, s20;
	v1 =	vadd.f32 v4, v1  }
0x162: {  	v41 =	vld [tilespmem:s11+$0xA300];
	s22 =	sand.u32 $0x1, s2;
	s12 =	sadd.s32 s6, s21;
	s3 =	sshra.s32 s20, $0x2  }
0x163: {  	s21 =	sshll.u32 s2, $0x8;
	s22 =	sshll.u32 s22, $0x8;
	s2 =	sadd.s32 s6, s3;
	v1 =	vadd.f32 v2, v1  }
0x164: {  	s20 =	sand.u32 $0xFFFFFE00, s21;
	s21 =	sshll.u32 s17, $0x8;
	s17 =	sand.u32 $0x1, s17;
	v2 =	vld [tilespmem:s15+$0xA380]  }
0x165: {  	s3 =	sor.u32 s22, s20;
	s20 =	sand.u32 $0xFFFFFE00, s21;
	s17 =	sshll.u32 s17, $0x8;
	v1 =	vadd.f32 v3, v1  }
0x166: {  	s22 =	sshll.u32 s16, $0x8;
	s16 =	sand.u32 $0x1, s16;
	s3 =	sshra.s32 s3, $0x2;
	v3 =	vld [tilespmem:s12+$0xA400]  }
0x167: {  	s17 =	sor.u32 s17, s20;
	s20 =	sand.u32 $0xFFFFFE00, s22;
	s22 =	sshll.u32 s16, $0x8;
	v1 =	vadd.f32 v41, v1  }
0x168: {  	v42 =	vld [tilespmem:s2+$0xA480];
	s21 =	sshra.s32 s17, $0x2;
	s17 =	sadd.s32 s6, s3;
	s20 =	sor.u32 s22, s20  }
0x169: {  	s22 =	sand.u32 $0x1, s5;
	s16 =	sadd.s32 s6, s21;
	s3 =	sshra.s32 s20, $0x2;
	v1 =	vadd.f32 v2, v1  }
0x16a: {  	s21 =	sshll.u32 s5, $0x8;
	s22 =	sshll.u32 s22, $0x8;
	s5 =	sadd.s32 s6, s3;
	v2 =	vld [tilespmem:s17+$0xA500]  }
0x16b: {  	s20 =	sand.u32 $0xFFFFFE00, s21;
	s21 =	sshll.u32 s18, $0x8;
	s18 =	sand.u32 $0x1, s18;
	v1 =	vadd.f32 v3, v1  }
0x16c: {  	s3 =	sor.u32 s22, s20;
	s20 =	sand.u32 $0xFFFFFE00, s21;
	s18 =	sshll.u32 s18, $0x8;
	v3 =	vld [tilespmem:s16+$0xA580]  }
0x16d: {  	s22 =	sshll.u32 s8, $0x8;
	s8 =	sand.u32 $0x1, s8;
	s3 =	sshra.s32 s3, $0x2;
	v1 =	vadd.f32 v42, v1  }
0x16e: {  	v43 =	vld [tilespmem:s5+$0xA600];
	s18 =	sor.u32 s18, s20;
	s20 =	sand.u32 $0xFFFFFE00, s22;
	s22 =	sshll.u32 s8, $0x8  }
0x16f: {  	s21 =	sshra.s32 s18, $0x2;
	s18 =	sadd.s32 s6, s3;
	s20 =	sor.u32 s22, s20;
	v1 =	vadd.f32 v2, v1  }
0x170: {  	s8 =	sadd.s32 s6, s21;
	s3 =	sshra.s32 s20, $0x2;
	s21 =	sshll.u32 s4, $0x8;
	v2 =	vld [tilespmem:s18+$0xA680]  }
0x171: {  	s22 =	sand.u32 $0x1, s4;
	s4 =	sadd.s32 s6, s3;
	s20 =	sand.u32 $0xFFFFFE00, s21;
	v1 =	vadd.f32 v3, v1  }
0x172: {  	s21 =	sshll.u32 s22, $0x8;
	s22 =	sshll.u32 s9, $0x8;
	s9 =	sand.u32 $0x1, s9;
	v3 =	vld [tilespmem:s8+$0xA700]  }
0x173: {  	s3 =	sor.u32 s21, s20;
	s20 =	sand.u32 $0xFFFFFE00, s22;
	s9 =	sshll.u32 s9, $0x8;
	v1 =	vadd.f32 v43, v1  }
0x174: {  	v44 =	vld [tilespmem:s4+$0xA780];
	s22 =	sshll.u32 s13, $0x8;
	s13 =	sand.u32 $0x1, s13;
	s3 =	sshra.s32 s3, $0x2  }
0x175: {  	s21 =	sor.u32 s9, s20;
	s13 =	sshll.u32 s13, $0x8;
	s7 =	sadd.s32 s6, s3;
	v1 =	vadd.f32 v2, v1  }
0x176: {  	s3 =	sshra.s32 s21, $0x2;
	s21 =	sand.u32 $0xFFFFFE00, s22;
	s22 =	sshll.u32 s14, $0x8;
	v2 =	vld [tilespmem:s7+$0xA800]  }
0x177: {  	s14 =	sand.u32 $0x1, s14;
	s9 =	sadd.s32 s6, s3;
	s3 =	sor.u32 s13, s21;
	v1 =	vadd.f32 v3, v1  }
0x178: {  	s13 =	sand.u32 $0xFFFFFE00, s22;
	s14 =	sshll.u32 s14, $0x8;
	s3 =	sshra.s32 s3, $0x2;
	v3 =	vld [tilespmem:s9+$0xA880]  }
0x179: {  	s22 =	sor.u32 s14, s13;
	s21 =	sadd.s32 s6, s3;
	v1 =	vadd.f32 v44, v1  }
0x17a: {  	s3 =	sshra.s32 s22, $0x2;
	v45 =	vld [tilespmem:s21+$0xA900]  }
0x17b: {  	s6 =	sadd.s32 s6, s3;
	v1 =	vadd.f32 v2, v1  }
0x17c: {  	v2 =	vld [tilespmem:s6+$0xA980]  }
0x17d: {  	v1 =	vadd.f32 v3, v1;
	_ =	sdelay $0x1  }
0x17e: {  	v1 =	vadd.f32 v45, v1;
	_ =	sdelay $0x1  }
0x17f: {  	v1 =	vadd.f32 v2, v1;
	_ =	sdelay $0x1  }
0x180: {  	[tilespmem:s28+$0xFFFFFFD0] =	vst v1  }
0x181: {  	v1 =	vld [tilespmem:s29+$0xA010]  }
0x182: {  	v2 =	vld [tilespmem:s30+$0xA090];
	_ =	sdelay $0x1  }
0x183: {  	v3 =	vld [tilespmem:s31+$0xA110];
	_ =	sdelay $0x1  }
0x184: {  	v46 =	vld [tilespmem:s1+$0xA190]  }
0x185: {  	v1 =	vadd.f32 v2, v1  }
0x186: {  	v2 =	vld [tilespmem:s10+$0xA210]  }
0x187: {  	v1 =	vadd.f32 v3, v1  }
0x188: {  	v3 =	vld [tilespmem:s0+$0xA290]  }
0x189: {  	v1 =	vadd.f32 v46, v1  }
0x18a: {  	v47 =	vld [tilespmem:s11+$0xA310]  }
0x18b: {  	v1 =	vadd.f32 v2, v1  }
0x18c: {  	v2 =	vld [tilespmem:s15+$0xA390]  }
0x18d: {  	v1 =	vadd.f32 v3, v1  }
0x18e: {  	v3 =	vld [tilespmem:s12+$0xA410]  }
0x18f: {  	v1 =	vadd.f32 v47, v1  }
0x190: {  	v48 =	vld [tilespmem:s2+$0xA490]  }
0x191: {  	v1 =	vadd.f32 v2, v1  }
0x192: {  	v2 =	vld [tilespmem:s17+$0xA510]  }
0x193: {  	v1 =	vadd.f32 v3, v1  }
0x194: {  	v3 =	vld [tilespmem:s16+$0xA590]  }
0x195: {  	v1 =	vadd.f32 v48, v1  }
0x196: {  	v49 =	vld [tilespmem:s5+$0xA610]  }
0x197: {  	v1 =	vadd.f32 v2, v1  }
0x198: {  	v2 =	vld [tilespmem:s18+$0xA690]  }
0x199: {  	v1 =	vadd.f32 v3, v1  }
0x19a: {  	v3 =	vld [tilespmem:s8+$0xA710]  }
0x19b: {  	v1 =	vadd.f32 v49, v1  }
0x19c: {  	v50 =	vld [tilespmem:s4+$0xA790]  }
0x19d: {  	v1 =	vadd.f32 v2, v1  }
0x19e: {  	v2 =	vld [tilespmem:s7+$0xA810]  }
0x19f: {  	v1 =	vadd.f32 v3, v1  }
0x1a0: {  	v3 =	vld [tilespmem:s9+$0xA890]  }
0x1a1: {  	v1 =	vadd.f32 v50, v1  }
0x1a2: {  	v51 =	vld [tilespmem:s21+$0xA910]  }
0x1a3: {  	v1 =	vadd.f32 v2, v1  }
0x1a4: {  	v2 =	vld [tilespmem:s6+$0xA990]  }
0x1a5: {  	v1 =	vadd.f32 v3, v1;
	_ =	sdelay $0x1  }
0x1a6: {  	v1 =	vadd.f32 v51, v1;
	_ =	sdelay $0x1  }
0x1a7: {  	v1 =	vadd.f32 v2, v1;
	_ =	sdelay $0x1  }
0x1a8: {  	[tilespmem:s28+$0xFFFFFFE0] =	vst v1  }
0x1a9: {  	v1 =	vld [tilespmem:s29+$0xA020]  }
0x1aa: {  	v2 =	vld [tilespmem:s30+$0xA0A0];
	_ =	sdelay $0x1  }
0x1ab: {  	v3 =	vld [tilespmem:s31+$0xA120];
	_ =	sdelay $0x1  }
0x1ac: {  	v52 =	vld [tilespmem:s1+$0xA1A0]  }
0x1ad: {  	v1 =	vadd.f32 v2, v1  }
0x1ae: {  	v2 =	vld [tilespmem:s10+$0xA220]  }
0x1af: {  	v1 =	vadd.f32 v3, v1  }
0x1b0: {  	v3 =	vld [tilespmem:s0+$0xA2A0]  }
0x1b1: {  	v1 =	vadd.f32 v52, v1  }
0x1b2: {  	v53 =	vld [tilespmem:s11+$0xA320]  }
0x1b3: {  	v1 =	vadd.f32 v2, v1  }
0x1b4: {  	v2 =	vld [tilespmem:s15+$0xA3A0]  }
0x1b5: {  	v1 =	vadd.f32 v3, v1  }
0x1b6: {  	v3 =	vld [tilespmem:s12+$0xA420]  }
0x1b7: {  	v1 =	vadd.f32 v53, v1  }
0x1b8: {  	v54 =	vld [tilespmem:s2+$0xA4A0]  }
0x1b9: {  	v1 =	vadd.f32 v2, v1  }
0x1ba: {  	v2 =	vld [tilespmem:s17+$0xA520]  }
0x1bb: {  	v1 =	vadd.f32 v3, v1  }
0x1bc: {  	v3 =	vld [tilespmem:s16+$0xA5A0]  }
0x1bd: {  	v1 =	vadd.f32 v54, v1  }
0x1be: {  	v55 =	vld [tilespmem:s5+$0xA620]  }
0x1bf: {  	v1 =	vadd.f32 v2, v1  }
0x1c0: {  	v2 =	vld [tilespmem:s18+$0xA6A0]  }
0x1c1: {  	v1 =	vadd.f32 v3, v1  }
0x1c2: {  	v3 =	vld [tilespmem:s8+$0xA720]  }
0x1c3: {  	v1 =	vadd.f32 v55, v1  }
0x1c4: {  	v56 =	vld [tilespmem:s4+$0xA7A0]  }
0x1c5: {  	v1 =	vadd.f32 v2, v1  }
0x1c6: {  	v2 =	vld [tilespmem:s7+$0xA820]  }
0x1c7: {  	v1 =	vadd.f32 v3, v1  }
0x1c8: {  	v3 =	vld [tilespmem:s9+$0xA8A0]  }
0x1c9: {  	v1 =	vadd.f32 v56, v1  }
0x1ca: {  	v57 =	vld [tilespmem:s21+$0xA920]  }
0x1cb: {  	v1 =	vadd.f32 v2, v1  }
0x1cc: {  	v2 =	vld [tilespmem:s6+$0xA9A0]  }
0x1cd: {  	v1 =	vadd.f32 v3, v1;
	_ =	sdelay $0x1  }
0x1ce: {  	v1 =	vadd.f32 v57, v1;
	_ =	sdelay $0x1  }
0x1cf: {  	v1 =	vadd.f32 v2, v1;
	_ =	sdelay $0x1  }
0x1d0: {  	[tilespmem:s28+$0xFFFFFFF0] =	vst v1  }
0x1d1: {  	v1 =	vld [tilespmem:s29+$0xA030]  }
0x1d2: {  	v2 =	vld [tilespmem:s30+$0xA0B0];
	_ =	sdelay $0x1  }
0x1d3: {  	v3 =	vld [tilespmem:s31+$0xA130];
	_ =	sdelay $0x1  }
0x1d4: {  	v58 =	vld [tilespmem:s1+$0xA1B0]  }
0x1d5: {  	v1 =	vadd.f32 v2, v1  }
0x1d6: {  	v2 =	vld [tilespmem:s10+$0xA230]  }
0x1d7: {  	v1 =	vadd.f32 v3, v1  }
0x1d8: {  	v3 =	vld [tilespmem:s0+$0xA2B0]  }
0x1d9: {  	v1 =	vadd.f32 v58, v1  }
0x1da: {  	v59 =	vld [tilespmem:s11+$0xA330]  }
0x1db: {  	v1 =	vadd.f32 v2, v1  }
0x1dc: {  	v2 =	vld [tilespmem:s15+$0xA3B0]  }
0x1dd: {  	v1 =	vadd.f32 v3, v1  }
0x1de: {  	v3 =	vld [tilespmem:s12+$0xA430]  }
0x1df: {  	v1 =	vadd.f32 v59, v1  }
0x1e0: {  	v60 =	vld [tilespmem:s2+$0xA4B0]  }
0x1e1: {  	v1 =	vadd.f32 v2, v1  }
0x1e2: {  	v2 =	vld [tilespmem:s17+$0xA530]  }
0x1e3: {  	v1 =	vadd.f32 v3, v1  }
0x1e4: {  	v3 =	vld [tilespmem:s16+$0xA5B0]  }
0x1e5: {  	v1 =	vadd.f32 v60, v1  }
0x1e6: {  	v61 =	vld [tilespmem:s5+$0xA630]  }
0x1e7: {  	v1 =	vadd.f32 v2, v1  }
0x1e8: {  	v2 =	vld [tilespmem:s18+$0xA6B0]  }
0x1e9: {  	v1 =	vadd.f32 v3, v1  }
0x1ea: {  	v3 =	vld [tilespmem:s8+$0xA730]  }
0x1eb: {  	v1 =	vadd.f32 v61, v1  }
0x1ec: {  	v62 =	vld [tilespmem:s4+$0xA7B0]  }
0x1ed: {  	v1 =	vadd.f32 v2, v1  }
0x1ee: {  	v2 =	vld [tilespmem:s7+$0xA830]  }
0x1ef: {  	v1 =	vadd.f32 v3, v1  }
0x1f0: {  	v3 =	vld [tilespmem:s9+$0xA8B0]  }
0x1f1: {  	v1 =	vadd.f32 v62, v1  }
0x1f2: {  	v63 =	vld [tilespmem:s21+$0xA930]  }
0x1f3: {  	v1 =	vadd.f32 v2, v1  }
0x1f4: {  	v2 =	vld [tilespmem:s6+$0xA9B0]  }
0x1f5: {  	v1 =	vadd.f32 v3, v1  }
0x1f6: {  	p1 =	sne.s32 s25, $0x11800  }
.Ltmp4:
0x1f7: {  	v1 =	vadd.f32 v63, v1;
	(pc) =	sbr.rel @p1 .LBB2_7-.Ltmp4, $3  }
0x1f8: {  	_ = 	snop  }
0x1f9: {  	v1 =	vadd.f32 v2, v1;
	_ =	sdelay $0x1  }
0x1fa: {  	s26 =	sadd.s32 $0x14, s26;
	s25 =	sadd.s32 $0x2800, s25;
	[tilespmem:s28+$0x0] =	vst v1;
	s28 =	sadd.s32 $0x80, s28  }
.Ltmp5:
0x1fb: {  	(pc) =	sbr.rel @p0 .LBB2_10-.Ltmp5, $1  }
0x1fc: {  	_ =	sdelay $0x3  }
0x1fd: {  	s0 =	sshra.s32 s24, $0x2;
	s1 =	rddreg [dreg:$0x3];
	s2 =	simm.s32 $0xA0  }
.Ltmp6:
0x1fe: {  	s3 =	simm.s32 $0xA000;
	s26 =	rddreg [dreg:$0x8];
	(pc) =	sbr.rel .LBB2_4-.Ltmp6, $4  }
0x1ff: {  	s19 =	sadd.s32 $0x1, s19;
	s31 =	rddreg [dreg:$0xa];
	s0 =	sadd.s32 $0x29E0, s0  }
0x200: {  	[tilespmem:s3], [sflag:$0x2] =	stream.indirect.gather [hbm4b:s1+s2], $0x80, s0, s2, $0xb8;
	[tilespmem:$0x1F000] =	vst v63  }
0x201: {  	s25 =	rddreg [dreg:$0x9];
	s23 =	sadd.s32 $0x140, s23;
	s0 =	sadd.s32 $0x800, s31  }
0x202: {  	s26 =	sadd.s32 $0x800, s26;
	s25 =	sadd.s32 $0x140, s25;
	[dreg:$0xa] =	wrdreg s0  }
.LBB2_11:
0x203: {  	_ =	sfence.sel $0x180000  }
0x204: {  	[bflag:$0x0] =	sbarrier.arrive $0xFFFF  }
0x205: {  	_ =	strace $0x90000047  }
0x206: {  	s0 =	stileid.u32;
	[bflag:$0x2] =	sbarrier.arrive $0xFFFF  }
0x207: {  	p0 =	sne.s32 s0, $0x0;
	s0 =	rddreg [dreg:$0x2]  }
0x208: {  	s0 =	sadd.s32 @!p0 $0x100000, s0  }
0x209: {  	[sflag:s0] =	ssyncadd.tile.s32 @!p0 $0x1;
	_ =	shalt  }
.Lfunc_end2:
_tile_overlayer_lowered:
.L_overlay_start_2:
0x20a: {  	(tag) =	ssettag $0x2  }
0x20b: {  	s0 =	rddreg [dreg:$0x0];
	s2 =	stileid.u32  }
0x20c: {  	s1 =	rddreg [dreg:$0x1];
	p0 =	sne.s32 s2, $0x0  }
0x20d: {  	s3 =	rddreg [dreg:$0x2];
	[bflag:$0x3] =	sbarrier.arrive $0xFFFF;
	s2 =	simm.s32 @!p0 $0x1C03  }
0x20e: {  	[timem:s3], [sflag:s2] =	dma.local @!p0 [hbm:s0], s1  }
0x20f: {  	s0 =	simm.s32 @!p0 $0x3  }
0x210: {  	_ =	swait.ge @!p0 [sflag:s0], s1  }
0x211: {  	s1 =	ssub.s32 @!p0 $0x0, s1;
	[sflag:s0] =	ssyncset.done @!p0 $0x0  }
0x212: {  	[sflag:s0] =	ssyncadd.s32 @!p0 s1  }
0x213: {  	[bflag:$0x3] =	sbarrier.arrive $0xFFFF  }
0x214: {  	_ =	shalt  }

</sc_bundles>
